<compile_context>
chip_gen: v7x
topology: tpu7x:2x2x1
jax: 0.10.2.dev20260603
libtpu: 0.0.44.dev20260713+nightly
codegen_flags: <defaults>
</compile_context>

<pallas_src>
import functools
import math

import jax
import jax.numpy as jnp
from jax import lax
from jax.experimental import pallas as pl
from jax.experimental.pallas import tpu as pltpu
from jax.experimental.pallas import tpu_sc as plsc

EMB = 32
VOCAB = 1000000
SCALE = math.sqrt(EMB)

NC = 2
NS = 16
NW = NC * NS
LANES = 16

S = 50
BATCH = 16384
NB = BATCH // 128
BLK_PER_W = NB // NW
BPW = BLK_PER_W * 128


def _make_emb():
  mesh = plsc.VectorSubcoreMesh(core_axis_name="c", subcore_axis_name="s")

  @functools.partial(
      pl.kernel,
      out_type=jax.ShapeDtypeStruct((S, 4, NB, 8, 128), jnp.float32),
      mesh=mesh,
      scratch_types=[
          pltpu.VMEM((7, BLK_PER_W, 8, 128), jnp.int32),
          pltpu.VMEM((BLK_PER_W, 128), jnp.int32),
          pltpu.VMEM((128, EMB), jnp.float32),
          pltpu.VMEM((128, EMB), jnp.float32),
          pltpu.VMEM((EMB, 128), jnp.float32),
          pltpu.VMEM((EMB, 128), jnp.float32),
          pltpu.VMEM((EMB, 256), jnp.float32),
          pltpu.SemaphoreType.DMA,
          pltpu.SemaphoreType.DMA,
          pltpu.SemaphoreType.DMA,
          pltpu.SemaphoreType.DMA,
      ],
      compiler_params=pltpu.CompilerParams(
          use_tc_tiling_on_sc=False, needs_layout_passes=False),
  )
  def body(tok_hbm, table_hbm, out_hbm, slab4, idx_v, rows_a,
           rows_b, t_va, t_vb, tsw, gsem0, gsem1, osem0, osem1):
    wid = lax.axis_index("s") * NC + lax.axis_index("c")
    blk0 = wid * BLK_PER_W
    iota = lax.iota(jnp.int32, LANES)
    iota_hi = iota + LANES
    rows = (rows_a, rows_b)
    tvs = (t_va, t_vb)
    gsems = (gsem0, gsem1)
    osems = (osem0, osem1)

    pltpu.sync_copy(tok_hbm.at[:, pl.ds(blk0, BLK_PER_W)], slab4)

    def per_s(s, _):
      sr = s // 8
      sl = s % 8

      def stage_idx(j, _):
        def cp16(g, _):
          v = slab4[sr, j, sl, pl.ds(g * LANES, LANES)]
          idx_v[j, pl.ds(g * LANES, LANES)] = jnp.minimum(
              jnp.maximum(v, 0), VOCAB - 1)
          return ()
        return lax.fori_loop(0, 128 // LANES, cp16, ())

      lax.fori_loop(0, BLK_PER_W, stage_idx, ())

      def gather(j, slot):
        return pltpu.async_copy(table_hbm.at[idx_v.at[j]],
                                rows[slot], gsems[slot])

      g0 = gather(0, 0)
      g1 = gather(1, 1)
      out_copies = [None, None, None, None]
      for j in range(BLK_PER_W):
        p = j % 2
        rv = rows[p]
        tv = tvs[p]
        (g0 if p == 0 else g1).wait()
        if j >= 2:
          for cp in out_copies[j - 2]:
            cp.wait()

        def per_tok(i, _):
          for k in range(4):
            t = i * 4 + k
            ln = jnp.full((LANES,), t, jnp.int32)
            plsc.store_scatter(tsw, [iota, ln + iota],
                               rv[t, pl.ds(0, LANES)] * SCALE)
            plsc.store_scatter(tsw, [iota_hi, ln + iota_hi],
                               rv[t, pl.ds(LANES, LANES)] * SCALE)
          return ()

        lax.fori_loop(0, 32, per_tok, ())

        def unskew(e, _):
          for g in range(128 // LANES):
            tv[e, pl.ds(g * LANES, LANES)] = (
                tsw[e, pl.ds(e + g * LANES, LANES)])
          return ()

        lax.fori_loop(0, EMB, unskew, ())

        if j + 2 < BLK_PER_W:
          if p == 0:
            g0 = gather(j + 2, 0)
          else:
            g1 = gather(j + 2, 1)
        out_copies[j] = [
            pltpu.async_copy(tv.at[pl.ds(te * 8, 8)],
                             out_hbm.at[s, te, blk0 + j], osems[p])
            for te in range(4)
        ]
      for j in (2, 3):
        for cp in out_copies[j]:
          cp.wait()
      return ()

    lax.fori_loop(0, S, per_s, ())

  return body


def kernel(tokens, table):
  tp = jnp.pad(tokens, ((0, 0), (0, 6)))
  t4 = tp.T.reshape(7, 8, NB, 128).transpose(0, 2, 1, 3)
  out5 = _make_emb()(t4, table)
  return out5.transpose(2, 4, 0, 1, 3).reshape(BATCH, S, EMB)

# --- scband reference (transcript-rebuilt; emitter-appended) ---
"""Pipeline reference for scband-embedding-37469294691206 (READ-ONLY COPY).

The authoritative reference and input builder live on the scoring server;
editing this copy changes nothing except your own understanding.
"""

import jax, jax.numpy as jnp
import numpy as np
import math

VOCAB = 1000000
EMB = 32

def setup_inputs(seed: int = 0) -> dict:
    key = jax.random.key(seed)
    k1, k2 = jax.random.split(key)
    tokens = jax.random.randint(k1, (16384, 50), 0, VOCAB, dtype=jnp.int64 if jax.config.jax_enable_x64 else jnp.int32)
    table = jax.random.normal(k2, (VOCAB, EMB), dtype=jnp.float32)
    return {"tokens": tokens, "table": table}

def reference(tokens, table):
    # nn.Embedding lookup followed by scaling by sqrt(emb_size)
    emb = jnp.take(table, tokens, axis=0)
    return emb * math.sqrt(EMB)

if __name__ == "__main__":
    import jax
    _d = setup_inputs()
    print(jax.jit(kernel)(*tuple(_d.values())))

</pallas_src>

<mosaic_0001>
#map = affine_map<(d0, d1) -> (0, 0, 0, 0)>
#map1 = affine_map<(d0, d1) -> (0, 0)>
#map2 = affine_map<(d0, d1) -> (0, 0, 0, 0, 0)>
module attributes {stable_mosaic.version = 14 : i64} {
  func.func @body(%arg0: i32, %arg1: i32, %arg2: memref<7x128x8x128xi32, #tpu.memory_space<hbm>>, %arg3: memref<1000000x32xf32, #tpu.memory_space<hbm>>, %arg4: memref<50x4x128x8x128xf32, #tpu.memory_space<hbm>>, %arg5: memref<7x4x8x128xi32, #tpu.memory_space<vmem>>, %arg6: memref<4x128xi32, #tpu.memory_space<vmem>>, %arg7: memref<128x32xf32, #tpu.memory_space<vmem>>, %arg8: memref<128x32xf32, #tpu.memory_space<vmem>>, %arg9: memref<32x128xf32, #tpu.memory_space<vmem>>, %arg10: memref<32x128xf32, #tpu.memory_space<vmem>>, %arg11: memref<32x256xf32, #tpu.memory_space<vmem>>, %arg12: memref<!tpu.dma_semaphore, #tpu.memory_space<semaphore_mem>>, %arg13: memref<!tpu.dma_semaphore, #tpu.memory_space<semaphore_mem>>, %arg14: memref<!tpu.dma_semaphore, #tpu.memory_space<semaphore_mem>>, %arg15: memref<!tpu.dma_semaphore, #tpu.memory_space<semaphore_mem>>) attributes {dimension_semantics = [#tpu.dimension_semantics<core_parallel>, #tpu.dimension_semantics<subcore_parallel>], iteration_bounds = array<i64: 2, 16>, scalar_prefetch = 0 : i64, scratch_operands = 11 : i64, tpu.core_type = #tpu.core_type<sc_vector_subcore>, window_params = [{transform_indices = #map}, {transform_indices = #map1}, {transform_indices = #map2}]} {
    %mul3A = arith.constant 2 : i32
    %mul3A_0 = arith.muli %arg1, %mul3A : i32
    %add3A = arith.addi %mul3A_0, %arg0 : i32
    %mul3A_1 = arith.constant 4 : i32
    %mul3A_2 = arith.muli %add3A, %mul3A_1 : i32
    %iota3A = tpu.iota {dimensions = array<i32: 0>} : vector<16xi32>
    %add3A_3 = arith.constant 16 : i32
    %add3A_4 = vector.broadcast %add3A_3 : i32 to vector<16xi32>
    %add3A_5 = arith.addi %iota3A, %add3A_4 : vector<16xi32>
    "tpu.region"() ({
      %run_scoped3A = tpu.sem_alloc : memref<!tpu.dma_semaphore, #tpu.memory_space<semaphore_mem>>
      %dma_start3A = arith.constant 0 : i32
      %dma_start3A_10 = arith.constant 0 : i32
      %dma_start3A_11 = arith.constant 0 : i32
      %dma_start3A_12 = tpu.memref_slice %arg2[%dma_start3A, %mul3A_2, %dma_start3A_10, %dma_start3A_11] : memref<7x128x8x128xi32, #tpu.memory_space<hbm>> -> memref<7x4x8x128xi32, #tpu.memory_space<hbm>>
      %dma_start3A_13 = arith.constant 0 : i32
      %dma_start3A_14 = arith.constant 0 : i32
      %dma_start3A_15 = arith.constant 0 : i32
      %dma_start3A_16 = tpu.memref_slice %arg2[%dma_start3A_13, %mul3A_2, %dma_start3A_14, %dma_start3A_15] : memref<7x128x8x128xi32, #tpu.memory_space<hbm>> -> memref<7x4x8x128xi32, #tpu.memory_space<hbm>>
      tpu.enqueue_dma source(%dma_start3A_16 : memref<7x4x8x128xi32, #tpu.memory_space<hbm>>) target(%arg5 : memref<7x4x8x128xi32, #tpu.memory_space<vmem>>) target_semaphore(%run_scoped3A : memref<!tpu.dma_semaphore, #tpu.memory_space<semaphore_mem>>)
      %dma_wait3A = arith.constant 0 : i32
      %dma_wait3A_17 = arith.constant 0 : i32
      %dma_wait3A_18 = arith.constant 0 : i32
      %dma_wait3A_19 = tpu.memref_slice %arg2[%dma_wait3A, %mul3A_2, %dma_wait3A_17, %dma_wait3A_18] : memref<7x128x8x128xi32, #tpu.memory_space<hbm>> -> memref<7x4x8x128xi32, #tpu.memory_space<hbm>>
      %dma_wait3A_20 = arith.constant 0 : i32
      %dma_wait3A_21 = arith.constant 0 : i32
      %dma_wait3A_22 = arith.constant 0 : i32
      %dma_wait3A_23 = tpu.memref_slice %arg2[%dma_wait3A_20, %mul3A_2, %dma_wait3A_21, %dma_wait3A_22] : memref<7x128x8x128xi32, #tpu.memory_space<hbm>> -> memref<7x4x8x128xi32, #tpu.memory_space<hbm>>
      tpu.wait_dma2 semaphore(%run_scoped3A : memref<!tpu.dma_semaphore, #tpu.memory_space<semaphore_mem>>) src(%dma_wait3A_23 : memref<7x4x8x128xi32, #tpu.memory_space<hbm>>) dst(%arg5 : memref<7x4x8x128xi32, #tpu.memory_space<vmem>>)
      tpu.yield
    }) : () -> ()
    %scan3A = arith.constant 0 : i32
    %scan3A_6 = arith.constant 50 : i32
    %scan3A_7 = arith.addi %scan3A, %scan3A_6 : i32
    %scan3A_8 = arith.constant 1 : i32
    scf.for %scan3A_10 = %scan3A to %scan3A_7 step %scan3A_8  : i32 {
      %jit3A = arith.constant 8 : i32
      %div3A = arith.divsi %scan3A_10, %jit3A : i32
      %sign3A = arith.constant 0 : i32
      %sign3A_11 = arith.cmpi sgt, %scan3A_10, %sign3A : i32
      %sign3A_12 = arith.extui %sign3A_11 : i1 to i32
      %sign3A_13 = arith.constant 0 : i32
      %sign3A_14 = arith.cmpi slt, %scan3A_10, %sign3A_13 : i32
      %sign3A_15 = arith.extui %sign3A_14 : i1 to i32
      %sign3A_16 = arith.subi %sign3A_12, %sign3A_15 : i32
      %sign3A_17 = arith.constant 0 : i32
      %sign3A_18 = arith.cmpi sgt, %jit3A, %sign3A_17 : i32
      %sign3A_19 = arith.extui %sign3A_18 : i1 to i32
      %sign3A_20 = arith.constant 0 : i32
      %sign3A_21 = arith.cmpi slt, %jit3A, %sign3A_20 : i32
      %sign3A_22 = arith.extui %sign3A_21 : i1 to i32
      %sign3A_23 = arith.subi %sign3A_19, %sign3A_22 : i32
      %ne3A = arith.cmpi ne, %sign3A_16, %sign3A_23 : i32
      %rem3A = arith.remsi %scan3A_10, %jit3A : i32
      %ne3A_24 = arith.constant 0 : i32
      %ne3A_25 = arith.cmpi ne, %rem3A, %ne3A_24 : i32
      %and3A = arith.andi %ne3A, %ne3A_25 : i1
      %sub3A = arith.constant 1 : i32
      %sub3A_26 = arith.subi %div3A, %sub3A : i32
      %select_n3A = arith.select %and3A, %sub3A_26, %div3A : i32
      %jit3A_27 = arith.constant 8 : i32
      %eq3A = arith.constant 0 : i32
      %eq3A_28 = arith.cmpi eq, %jit3A_27, %eq3A : i32
      %jit3A_29 = arith.constant 1 : i32
      %select_n3A_30 = arith.select %eq3A_28, %jit3A_29, %jit3A_27 : i32
      %rem3A_31 = arith.remsi %scan3A_10, %select_n3A_30 : i32
      %ne3A_32 = arith.constant 0 : i32
      %ne3A_33 = arith.cmpi ne, %rem3A_31, %ne3A_32 : i32
      %lt3A = arith.constant 0 : i32
      %lt3A_34 = arith.cmpi slt, %rem3A_31, %lt3A : i32
      %lt3A_35 = arith.constant 0 : i32
      %lt3A_36 = arith.cmpi slt, %select_n3A_30, %lt3A_35 : i32
      %ne3A_37 = arith.xori %lt3A_34, %lt3A_36 : i1
      %and3A_38 = arith.andi %ne3A_37, %ne3A_33 : i1
      %add3A_39 = arith.addi %rem3A_31, %select_n3A_30 : i32
      %select_n3A_40 = arith.select %and3A_38, %add3A_39, %rem3A_31 : i32
      %scan3A_41 = arith.constant 0 : i32
      %scan3A_42 = arith.constant 4 : i32
      %scan3A_43 = arith.addi %scan3A_41, %scan3A_42 : i32
      %scan3A_44 = arith.constant 1 : i32
      scf.for %scan3A_652 = %scan3A_41 to %scan3A_43 step %scan3A_44  : i32 {
        %scan3A_653 = arith.constant 0 : i32
        %scan3A_654 = arith.constant 8 : i32
        %scan3A_655 = arith.addi %scan3A_653, %scan3A_654 : i32
        %scan3A_656 = arith.constant 1 : i32
        scf.for %scan3A_658 = %scan3A_653 to %scan3A_655 step %scan3A_656  : i32 {
          %mul3A_659 = arith.constant 16 : i32
          %mul3A_660 = arith.muli %scan3A_658, %mul3A_659 : i32
          %get3A = arith.index_cast %select_n3A : i32 to index
          %get3A_661 = arith.index_cast %scan3A_652 : i32 to index
          %get3A_662 = arith.index_cast %select_n3A_40 : i32 to index
          %get3A_663 = arith.index_cast %mul3A_660 : i32 to index
          %get3A_664 = tpu.vector_load %arg5[%get3A, %get3A_661, %get3A_662, %get3A_663] {strides = array<i32>} : memref<7x4x8x128xi32, #tpu.memory_space<vmem>>, vector<16xi32>,
          %max3A = arith.constant 0 : i32
          %max3A_665 = vector.broadcast %max3A : i32 to vector<16xi32>
          %max3A_666 = arith.maxsi %get3A_664, %max3A_665 : vector<16xi32>
          %min3A = arith.constant 999999 : i32
          %min3A_667 = vector.broadcast %min3A : i32 to vector<16xi32>
          %min3A_668 = arith.minsi %max3A_666, %min3A_667 : vector<16xi32>
          %mul3A_669 = arith.constant 16 : i32
          %mul3A_670 = arith.muli %scan3A_658, %mul3A_669 : i32
          %swap3A = arith.index_cast %scan3A_652 : i32 to index
          %swap3A_671 = arith.index_cast %mul3A_670 : i32 to index
          %swap3A_672 = tpu.vector_load %arg6[%swap3A, %swap3A_671] {strides = array<i32>} : memref<4x128xi32, #tpu.memory_space<vmem>>, vector<16xi32>,
          tpu.vector_store %arg6[%swap3A, %swap3A_671], %min3A_668 {strides = array<i32>} : memref<4x128xi32, #tpu.memory_space<vmem>>, vector<16xi32>,
        }
        %scan3A_657 = arith.constant 8 : i32
      }
      %scan3A_45 = arith.constant 4 : i32
      %dma_start3A = arith.constant 0 : i32
      %dma_start3A_46 = arith.constant 0 : i32
      %dma_start3A_47 = tpu.memref_slice %arg6[%dma_start3A, %dma_start3A_46] : memref<4x128xi32, #tpu.memory_space<vmem>> -> memref<1x128xi32, #tpu.memory_space<vmem>>
      %dma_start3A_48 = tpu.memref_squeeze %dma_start3A_47 : memref<1x128xi32, #tpu.memory_space<vmem>> -> memref<128xi32, #tpu.memory_space<vmem>>
      %dma_start3A_49 = arith.constant 0 : i32
      %dma_start3A_50 = arith.constant 0 : i32
      %dma_start3A_51 = tpu.memref_slice %arg3[%dma_start3A_49, %dma_start3A_50] : memref<1000000x32xf32, #tpu.memory_space<hbm>> -> memref<1000000x32xf32, #tpu.memory_space<hbm>>
      tpu.enqueue_indirect_dma source(%dma_start3A_51 : memref<1000000x32xf32, #tpu.memory_space<hbm>>) target(%arg7 : memref<128x32xf32, #tpu.memory_space<vmem>>) offsets(%dma_start3A_48 : memref<128xi32, #tpu.memory_space<vmem>>) semaphore(%arg12 : memref<!tpu.dma_semaphore, #tpu.memory_space<semaphore_mem>>)
      %dma_start3A_52 = arith.constant 1 : i32
      %dma_start3A_53 = arith.constant 0 : i32
      %dma_start3A_54 = tpu.memref_slice %arg6[%dma_start3A_52, %dma_start3A_53] : memref<4x128xi32, #tpu.memory_space<vmem>> -> memref<1x128xi32, #tpu.memory_space<vmem>>
      %dma_start3A_55 = tpu.memref_squeeze %dma_start3A_54 : memref<1x128xi32, #tpu.memory_space<vmem>> -> memref<128xi32, #tpu.memory_space<vmem>>
      %dma_start3A_56 = arith.constant 0 : i32
      %dma_start3A_57 = arith.constant 0 : i32
      %dma_start3A_58 = tpu.memref_slice %arg3[%dma_start3A_56, %dma_start3A_57] : memref<1000000x32xf32, #tpu.memory_space<hbm>> -> memref<1000000x32xf32, #tpu.memory_space<hbm>>
      tpu.enqueue_indirect_dma source(%dma_start3A_58 : memref<1000000x32xf32, #tpu.memory_space<hbm>>) target(%arg8 : memref<128x32xf32, #tpu.memory_space<vmem>>) offsets(%dma_start3A_55 : memref<128xi32, #tpu.memory_space<vmem>>) semaphore(%arg13 : memref<!tpu.dma_semaphore, #tpu.memory_space<semaphore_mem>>)
      %dma_wait3A = arith.constant 0 : i32
      %dma_wait3A_59 = arith.constant 0 : i32
      %dma_wait3A_60 = tpu.memref_slice %arg6[%dma_wait3A, %dma_wait3A_59] : memref<4x128xi32, #tpu.memory_space<vmem>> -> memref<1x128xi32, #tpu.memory_space<vmem>>
      %dma_wait3A_61 = tpu.memref_squeeze %dma_wait3A_60 : memref<1x128xi32, #tpu.memory_space<vmem>> -> memref<128xi32, #tpu.memory_space<vmem>>
      %dma_wait3A_62 = arith.constant 0 : i32
      %dma_wait3A_63 = arith.constant 0 : i32
      %dma_wait3A_64 = tpu.memref_slice %arg3[%dma_wait3A_62, %dma_wait3A_63] : memref<1000000x32xf32, #tpu.memory_space<hbm>> -> memref<1000000x32xf32, #tpu.memory_space<hbm>>
      tpu.wait_indirect_dma semaphore(%arg12 : memref<!tpu.dma_semaphore, #tpu.memory_space<semaphore_mem>>) src(%dma_wait3A_64 : memref<1000000x32xf32, #tpu.memory_space<hbm>>) dst(%arg7 : memref<128x32xf32, #tpu.memory_space<vmem>>)
      %scan3A_65 = arith.constant 0 : i32
      %scan3A_66 = arith.constant 32 : i32
      %scan3A_67 = arith.addi %scan3A_65, %scan3A_66 : i32
      %scan3A_68 = arith.constant 1 : i32
      scf.for %scan3A_652 = %scan3A_65 to %scan3A_67 step %scan3A_68  : i32 {
        %mul3A_653 = arith.constant 4 : i32
        %mul3A_654 = arith.muli %scan3A_652, %mul3A_653 : i32
        %add3A_655 = arith.constant 0 : i32
        %add3A_656 = arith.addi %mul3A_654, %add3A_655 : i32
        %broadcast_in_dim3A = vector.broadcast %add3A_656 : i32 to vector<16xi32>
        %add3A_657 = arith.addi %broadcast_in_dim3A, %iota3A : vector<16xi32>
        %get3A = arith.index_cast %add3A_656 : i32 to index
        %get3A_658 = arith.constant 0 : index
        %get3A_659 = tpu.vector_load %arg7[%get3A, %get3A_658] {strides = array<i32>} : memref<128x32xf32, #tpu.memory_space<vmem>>, vector<16xf32>,
        %mul3A_660 = arith.constant 5.65685415 : f32
        %mul3A_661 = vector.broadcast %mul3A_660 : f32 to vector<16xf32>
        %mul3A_662 = arith.mulf %get3A_659, %mul3A_661 : vector<16xf32>
        tpu.vector_store_idx %arg11[%iota3A, %add3A_657], %mul3A_662 : memref<32x256xf32, #tpu.memory_space<vmem>>[vector<16xi32>, vector<16xi32>], vector<16xf32>,
        %add3A_663 = arith.addi %broadcast_in_dim3A, %add3A_5 : vector<16xi32>
        %get3A_664 = arith.index_cast %add3A_656 : i32 to index
        %get3A_665 = arith.constant 16 : index
        %get3A_666 = tpu.vector_load %arg7[%get3A_664, %get3A_665] {strides = array<i32>} : memref<128x32xf32, #tpu.memory_space<vmem>>, vector<16xf32>,
        %mul3A_667 = arith.constant 5.65685415 : f32
        %mul3A_668 = vector.broadcast %mul3A_667 : f32 to vector<16xf32>
        %mul3A_669 = arith.mulf %get3A_666, %mul3A_668 : vector<16xf32>
        tpu.vector_store_idx %arg11[%add3A_5, %add3A_663], %mul3A_669 : memref<32x256xf32, #tpu.memory_space<vmem>>[vector<16xi32>, vector<16xi32>], vector<16xf32>,
        %mul3A_670 = arith.constant 4 : i32
        %mul3A_671 = arith.muli %scan3A_652, %mul3A_670 : i32
        %add3A_672 = arith.constant 1 : i32
        %add3A_673 = arith.addi %mul3A_671, %add3A_672 : i32
        %broadcast_in_dim3A_674 = vector.broadcast %add3A_673 : i32 to vector<16xi32>
        %add3A_675 = arith.addi %broadcast_in_dim3A_674, %iota3A : vector<16xi32>
        %get3A_676 = arith.index_cast %add3A_673 : i32 to index
        %get3A_677 = arith.constant 0 : index
        %get3A_678 = tpu.vector_load %arg7[%get3A_676, %get3A_677] {strides = array<i32>} : memref<128x32xf32, #tpu.memory_space<vmem>>, vector<16xf32>,
        %mul3A_679 = arith.constant 5.65685415 : f32
        %mul3A_680 = vector.broadcast %mul3A_679 : f32 to vector<16xf32>
        %mul3A_681 = arith.mulf %get3A_678, %mul3A_680 : vector<16xf32>
        tpu.vector_store_idx %arg11[%iota3A, %add3A_675], %mul3A_681 : memref<32x256xf32, #tpu.memory_space<vmem>>[vector<16xi32>, vector<16xi32>], vector<16xf32>,
        %add3A_682 = arith.addi %broadcast_in_dim3A_674, %add3A_5 : vector<16xi32>
        %get3A_683 = arith.index_cast %add3A_673 : i32 to index
        %get3A_684 = arith.constant 16 : index
        %get3A_685 = tpu.vector_load %arg7[%get3A_683, %get3A_684] {strides = array<i32>} : memref<128x32xf32, #tpu.memory_space<vmem>>, vector<16xf32>,
        %mul3A_686 = arith.constant 5.65685415 : f32
        %mul3A_687 = vector.broadcast %mul3A_686 : f32 to vector<16xf32>
        %mul3A_688 = arith.mulf %get3A_685, %mul3A_687 : vector<16xf32>
        tpu.vector_store_idx %arg11[%add3A_5, %add3A_682], %mul3A_688 : memref<32x256xf32, #tpu.memory_space<vmem>>[vector<16xi32>, vector<16xi32>], vector<16xf32>,
        %mul3A_689 = arith.constant 4 : i32
        %mul3A_690 = arith.muli %scan3A_652, %mul3A_689 : i32
        %add3A_691 = arith.constant 2 : i32
        %add3A_692 = arith.addi %mul3A_690, %add3A_691 : i32
        %broadcast_in_dim3A_693 = vector.broadcast %add3A_692 : i32 to vector<16xi32>
        %add3A_694 = arith.addi %broadcast_in_dim3A_693, %iota3A : vector<16xi32>
        %get3A_695 = arith.index_cast %add3A_692 : i32 to index
        %get3A_696 = arith.constant 0 : index
        %get3A_697 = tpu.vector_load %arg7[%get3A_695, %get3A_696] {strides = array<i32>} : memref<128x32xf32, #tpu.memory_space<vmem>>, vector<16xf32>,
        %mul3A_698 = arith.constant 5.65685415 : f32
        %mul3A_699 = vector.broadcast %mul3A_698 : f32 to vector<16xf32>
        %mul3A_700 = arith.mulf %get3A_697, %mul3A_699 : vector<16xf32>
        tpu.vector_store_idx %arg11[%iota3A, %add3A_694], %mul3A_700 : memref<32x256xf32, #tpu.memory_space<vmem>>[vector<16xi32>, vector<16xi32>], vector<16xf32>,
        %add3A_701 = arith.addi %broadcast_in_dim3A_693, %add3A_5 : vector<16xi32>
        %get3A_702 = arith.index_cast %add3A_692 : i32 to index
        %get3A_703 = arith.constant 16 : index
        %get3A_704 = tpu.vector_load %arg7[%get3A_702, %get3A_703] {strides = array<i32>} : memref<128x32xf32, #tpu.memory_space<vmem>>, vector<16xf32>,
        %mul3A_705 = arith.constant 5.65685415 : f32
        %mul3A_706 = vector.broadcast %mul3A_705 : f32 to vector<16xf32>
        %mul3A_707 = arith.mulf %get3A_704, %mul3A_706 : vector<16xf32>
        tpu.vector_store_idx %arg11[%add3A_5, %add3A_701], %mul3A_707 : memref<32x256xf32, #tpu.memory_space<vmem>>[vector<16xi32>, vector<16xi32>], vector<16xf32>,
        %mul3A_708 = arith.constant 4 : i32
        %mul3A_709 = arith.muli %scan3A_652, %mul3A_708 : i32
        %add3A_710 = arith.constant 3 : i32
        %add3A_711 = arith.addi %mul3A_709, %add3A_710 : i32
        %broadcast_in_dim3A_712 = vector.broadcast %add3A_711 : i32 to vector<16xi32>
        %add3A_713 = arith.addi %broadcast_in_dim3A_712, %iota3A : vector<16xi32>
        %get3A_714 = arith.index_cast %add3A_711 : i32 to index
        %get3A_715 = arith.constant 0 : index
        %get3A_716 = tpu.vector_load %arg7[%get3A_714, %get3A_715] {strides = array<i32>} : memref<128x32xf32, #tpu.memory_space<vmem>>, vector<16xf32>,
        %mul3A_717 = arith.constant 5.65685415 : f32
        %mul3A_718 = vector.broadcast %mul3A_717 : f32 to vector<16xf32>
        %mul3A_719 = arith.mulf %get3A_716, %mul3A_718 : vector<16xf32>
        tpu.vector_store_idx %arg11[%iota3A, %add3A_713], %mul3A_719 : memref<32x256xf32, #tpu.memory_space<vmem>>[vector<16xi32>, vector<16xi32>], vector<16xf32>,
        %add3A_720 = arith.addi %broadcast_in_dim3A_712, %add3A_5 : vector<16xi32>
        %get3A_721 = arith.index_cast %add3A_711 : i32 to index
        %get3A_722 = arith.constant 16 : index
        %get3A_723 = tpu.vector_load %arg7[%get3A_721, %get3A_722] {strides = array<i32>} : memref<128x32xf32, #tpu.memory_space<vmem>>, vector<16xf32>,
        %mul3A_724 = arith.constant 5.65685415 : f32
        %mul3A_725 = vector.broadcast %mul3A_724 : f32 to vector<16xf32>
        %mul3A_726 = arith.mulf %get3A_723, %mul3A_725 : vector<16xf32>
        tpu.vector_store_idx %arg11[%add3A_5, %add3A_720], %mul3A_726 : memref<32x256xf32, #tpu.memory_space<vmem>>[vector<16xi32>, vector<16xi32>], vector<16xf32>,
      }
      %scan3A_69 = arith.constant 32 : i32
      %scan3A_70 = arith.constant 0 : i32
      %scan3A_71 = arith.constant 32 : i32
      %scan3A_72 = arith.addi %scan3A_70, %scan3A_71 : i32
      %scan3A_73 = arith.constant 1 : i32
      scf.for %scan3A_652 = %scan3A_70 to %scan3A_72 step %scan3A_73  : i32 {
        %add3A_653 = arith.constant 0 : i32
        %add3A_654 = arith.addi %scan3A_652, %add3A_653 : i32
        %get3A = arith.index_cast %scan3A_652 : i32 to index
        %get3A_655 = arith.index_cast %add3A_654 : i32 to index
        %get3A_656 = tpu.vector_load %arg11[%get3A, %get3A_655] {strides = array<i32>} : memref<32x256xf32, #tpu.memory_space<vmem>>, vector<16xf32>,
        %swap3A = arith.index_cast %scan3A_652 : i32 to index
        %swap3A_657 = arith.constant 0 : index
        %swap3A_658 = tpu.vector_load %arg9[%swap3A, %swap3A_657] {strides = array<i32>} : memref<32x128xf32, #tpu.memory_space<vmem>>, vector<16xf32>,
        tpu.vector_store %arg9[%swap3A, %swap3A_657], %get3A_656 {strides = array<i32>} : memref<32x128xf32, #tpu.memory_space<vmem>>, vector<16xf32>,
        %add3A_659 = arith.constant 16 : i32
        %add3A_660 = arith.addi %scan3A_652, %add3A_659 : i32
        %get3A_661 = arith.index_cast %scan3A_652 : i32 to index
        %get3A_662 = arith.index_cast %add3A_660 : i32 to index
        %get3A_663 = tpu.vector_load %arg11[%get3A_661, %get3A_662] {strides = array<i32>} : memref<32x256xf32, #tpu.memory_space<vmem>>, vector<16xf32>,
        %swap3A_664 = arith.index_cast %scan3A_652 : i32 to index
        %swap3A_665 = arith.constant 16 : index
        %swap3A_666 = tpu.vector_load %arg9[%swap3A_664, %swap3A_665] {strides = array<i32>} : memref<32x128xf32, #tpu.memory_space<vmem>>, vector<16xf32>,
        tpu.vector_store %arg9[%swap3A_664, %swap3A_665], %get3A_663 {strides = array<i32>} : memref<32x128xf32, #tpu.memory_space<vmem>>, vector<16xf32>,
        %add3A_667 = arith.constant 32 : i32
        %add3A_668 = arith.addi %scan3A_652, %add3A_667 : i32
        %get3A_669 = arith.index_cast %scan3A_652 : i32 to index
        %get3A_670 = arith.index_cast %add3A_668 : i32 to index
        %get3A_671 = tpu.vector_load %arg11[%get3A_669, %get3A_670] {strides = array<i32>} : memref<32x256xf32, #tpu.memory_space<vmem>>, vector<16xf32>,
        %swap3A_672 = arith.index_cast %scan3A_652 : i32 to index
        %swap3A_673 = arith.constant 32 : index
        %swap3A_674 = tpu.vector_load %arg9[%swap3A_672, %swap3A_673] {strides = array<i32>} : memref<32x128xf32, #tpu.memory_space<vmem>>, vector<16xf32>,
        tpu.vector_store %arg9[%swap3A_672, %swap3A_673], %get3A_671 {strides = array<i32>} : memref<32x128xf32, #tpu.memory_space<vmem>>, vector<16xf32>,
        %add3A_675 = arith.constant 48 : i32
        %add3A_676 = arith.addi %scan3A_652, %add3A_675 : i32
        %get3A_677 = arith.index_cast %scan3A_652 : i32 to index
        %get3A_678 = arith.index_cast %add3A_676 : i32 to index
        %get3A_679 = tpu.vector_load %arg11[%get3A_677, %get3A_678] {strides = array<i32>} : memref<32x256xf32, #tpu.memory_space<vmem>>, vector<16xf32>,
        %swap3A_680 = arith.index_cast %scan3A_652 : i32 to index
        %swap3A_681 = arith.constant 48 : index
        %swap3A_682 = tpu.vector_load %arg9[%swap3A_680, %swap3A_681] {strides = array<i32>} : memref<32x128xf32, #tpu.memory_space<vmem>>, vector<16xf32>,
        tpu.vector_store %arg9[%swap3A_680, %swap3A_681], %get3A_679 {strides = array<i32>} : memref<32x128xf32, #tpu.memory_space<vmem>>, vector<16xf32>,
        %add3A_683 = arith.constant 64 : i32
        %add3A_684 = arith.addi %scan3A_652, %add3A_683 : i32
        %get3A_685 = arith.index_cast %scan3A_652 : i32 to index
        %get3A_686 = arith.index_cast %add3A_684 : i32 to index
        %get3A_687 = tpu.vector_load %arg11[%get3A_685, %get3A_686] {strides = array<i32>} : memref<32x256xf32, #tpu.memory_space<vmem>>, vector<16xf32>,
        %swap3A_688 = arith.index_cast %scan3A_652 : i32 to index
        %swap3A_689 = arith.constant 64 : index
        %swap3A_690 = tpu.vector_load %arg9[%swap3A_688, %swap3A_689] {strides = array<i32>} : memref<32x128xf32, #tpu.memory_space<vmem>>, vector<16xf32>,
        tpu.vector_store %arg9[%swap3A_688, %swap3A_689], %get3A_687 {strides = array<i32>} : memref<32x128xf32, #tpu.memory_space<vmem>>, vector<16xf32>,
        %add3A_691 = arith.constant 80 : i32
        %add3A_692 = arith.addi %scan3A_652, %add3A_691 : i32
        %get3A_693 = arith.index_cast %scan3A_652 : i32 to index
        %get3A_694 = arith.index_cast %add3A_692 : i32 to index
        %get3A_695 = tpu.vector_load %arg11[%get3A_693, %get3A_694] {strides = array<i32>} : memref<32x256xf32, #tpu.memory_space<vmem>>, vector<16xf32>,
        %swap3A_696 = arith.index_cast %scan3A_652 : i32 to index
        %swap3A_697 = arith.constant 80 : index
        %swap3A_698 = tpu.vector_load %arg9[%swap3A_696, %swap3A_697] {strides = array<i32>} : memref<32x128xf32, #tpu.memory_space<vmem>>, vector<16xf32>,
        tpu.vector_store %arg9[%swap3A_696, %swap3A_697], %get3A_695 {strides = array<i32>} : memref<32x128xf32, #tpu.memory_space<vmem>>, vector<16xf32>,
        %add3A_699 = arith.constant 96 : i32
        %add3A_700 = arith.addi %scan3A_652, %add3A_699 : i32
        %get3A_701 = arith.index_cast %scan3A_652 : i32 to index
        %get3A_702 = arith.index_cast %add3A_700 : i32 to index
        %get3A_703 = tpu.vector_load %arg11[%get3A_701, %get3A_702] {strides = array<i32>} : memref<32x256xf32, #tpu.memory_space<vmem>>, vector<16xf32>,
        %swap3A_704 = arith.index_cast %scan3A_652 : i32 to index
        %swap3A_705 = arith.constant 96 : index
        %swap3A_706 = tpu.vector_load %arg9[%swap3A_704, %swap3A_705] {strides = array<i32>} : memref<32x128xf32, #tpu.memory_space<vmem>>, vector<16xf32>,
        tpu.vector_store %arg9[%swap3A_704, %swap3A_705], %get3A_703 {strides = array<i32>} : memref<32x128xf32, #tpu.memory_space<vmem>>, vector<16xf32>,
        %add3A_707 = arith.constant 112 : i32
        %add3A_708 = arith.addi %scan3A_652, %add3A_707 : i32
        %get3A_709 = arith.index_cast %scan3A_652 : i32 to index
        %get3A_710 = arith.index_cast %add3A_708 : i32 to index
        %get3A_711 = tpu.vector_load %arg11[%get3A_709, %get3A_710] {strides = array<i32>} : memref<32x256xf32, #tpu.memory_space<vmem>>, vector<16xf32>,
        %swap3A_712 = arith.index_cast %scan3A_652 : i32 to index
        %swap3A_713 = arith.constant 112 : index
        %swap3A_714 = tpu.vector_load %arg9[%swap3A_712, %swap3A_713] {strides = array<i32>} : memref<32x128xf32, #tpu.memory_space<vmem>>, vector<16xf32>,
        tpu.vector_store %arg9[%swap3A_712, %swap3A_713], %get3A_711 {strides = array<i32>} : memref<32x128xf32, #tpu.memory_space<vmem>>, vector<16xf32>,
      }
      %scan3A_74 = arith.constant 32 : i32
      %dma_start3A_75 = arith.constant 2 : i32
      %dma_start3A_76 = arith.constant 0 : i32
      %dma_start3A_77 = tpu.memref_slice %arg6[%dma_start3A_75, %dma_start3A_76] : memref<4x128xi32, #tpu.memory_space<vmem>> -> memref<1x128xi32, #tpu.memory_space<vmem>>
      %dma_start3A_78 = tpu.memref_squeeze %dma_start3A_77 : memref<1x128xi32, #tpu.memory_space<vmem>> -> memref<128xi32, #tpu.memory_space<vmem>>
      %dma_start3A_79 = arith.constant 0 : i32
      %dma_start3A_80 = arith.constant 0 : i32
      %dma_start3A_81 = tpu.memref_slice %arg3[%dma_start3A_79, %dma_start3A_80] : memref<1000000x32xf32, #tpu.memory_space<hbm>> -> memref<1000000x32xf32, #tpu.memory_space<hbm>>
      tpu.enqueue_indirect_dma source(%dma_start3A_81 : memref<1000000x32xf32, #tpu.memory_space<hbm>>) target(%arg7 : memref<128x32xf32, #tpu.memory_space<vmem>>) offsets(%dma_start3A_78 : memref<128xi32, #tpu.memory_space<vmem>>) semaphore(%arg12 : memref<!tpu.dma_semaphore, #tpu.memory_space<semaphore_mem>>)
      %add3A_82 = arith.constant 0 : i32
      %add3A_83 = arith.addi %mul3A_2, %add3A_82 : i32
      %dma_start3A_84 = arith.constant 0 : i32
      %dma_start3A_85 = arith.constant 0 : i32
      %dma_start3A_86 = arith.constant 0 : i32
      %dma_start3A_87 = tpu.memref_slice %arg9[%dma_start3A_85, %dma_start3A_86] : memref<32x128xf32, #tpu.memory_space<vmem>> -> memref<8x128xf32, #tpu.memory_space<vmem>>
      %dma_start3A_88 = arith.constant 0 : i32
      %dma_start3A_89 = arith.constant 0 : i32
      %dma_start3A_90 = tpu.memref_slice %arg4[%scan3A_10, %dma_start3A_84, %add3A_83, %dma_start3A_88, %dma_start3A_89] : memref<50x4x128x8x128xf32, #tpu.memory_space<hbm>> -> memref<1x1x1x8x128xf32, #tpu.memory_space<hbm>>
      %dma_start3A_91 = tpu.memref_squeeze %dma_start3A_90 : memref<1x1x1x8x128xf32, #tpu.memory_space<hbm>> -> memref<8x128xf32, #tpu.memory_space<hbm>>
      %dma_start3A_92 = arith.constant 0 : i32
      %dma_start3A_93 = arith.constant 0 : i32
      %dma_start3A_94 = tpu.memref_slice %arg4[%scan3A_10, %dma_start3A_84, %add3A_83, %dma_start3A_92, %dma_start3A_93] : memref<50x4x128x8x128xf32, #tpu.memory_space<hbm>> -> memref<1x1x1x8x128xf32, #tpu.memory_space<hbm>>
      %dma_start3A_95 = tpu.memref_squeeze %dma_start3A_94 : memref<1x1x1x8x128xf32, #tpu.memory_space<hbm>> -> memref<8x128xf32, #tpu.memory_space<hbm>>
      %dma_start3A_96 = arith.constant 0 : i32
      %dma_start3A_97 = arith.constant 0 : i32
      %dma_start3A_98 = tpu.memref_slice %arg9[%dma_start3A_96, %dma_start3A_97] : memref<32x128xf32, #tpu.memory_space<vmem>> -> memref<8x128xf32, #tpu.memory_space<vmem>>
      tpu.enqueue_dma source(%dma_start3A_98 : memref<8x128xf32, #tpu.memory_space<vmem>>) target(%dma_start3A_95 : memref<8x128xf32, #tpu.memory_space<hbm>>) target_semaphore(%arg14 : memref<!tpu.dma_semaphore, #tpu.memory_space<semaphore_mem>>)
      %add3A_99 = arith.constant 0 : i32
      %add3A_100 = arith.addi %mul3A_2, %add3A_99 : i32
      %dma_start3A_101 = arith.constant 1 : i32
      %dma_start3A_102 = arith.constant 8 : i32
      %dma_start3A_103 = arith.constant 0 : i32
      %dma_start3A_104 = tpu.memref_slice %arg9[%dma_start3A_102, %dma_start3A_103] : memref<32x128xf32, #tpu.memory_space<vmem>> -> memref<8x128xf32, #tpu.memory_space<vmem>>
      %dma_start3A_105 = arith.constant 0 : i32
      %dma_start3A_106 = arith.constant 0 : i32
      %dma_start3A_107 = tpu.memref_slice %arg4[%scan3A_10, %dma_start3A_101, %add3A_100, %dma_start3A_105, %dma_start3A_106] : memref<50x4x128x8x128xf32, #tpu.memory_space<hbm>> -> memref<1x1x1x8x128xf32, #tpu.memory_space<hbm>>
      %dma_start3A_108 = tpu.memref_squeeze %dma_start3A_107 : memref<1x1x1x8x128xf32, #tpu.memory_space<hbm>> -> memref<8x128xf32, #tpu.memory_space<hbm>>
      %dma_start3A_109 = arith.constant 0 : i32
      %dma_start3A_110 = arith.constant 0 : i32
      %dma_start3A_111 = tpu.memref_slice %arg4[%scan3A_10, %dma_start3A_101, %add3A_100, %dma_start3A_109, %dma_start3A_110] : memref<50x4x128x8x128xf32, #tpu.memory_space<hbm>> -> memref<1x1x1x8x128xf32, #tpu.memory_space<hbm>>
      %dma_start3A_112 = tpu.memref_squeeze %dma_start3A_111 : memref<1x1x1x8x128xf32, #tpu.memory_space<hbm>> -> memref<8x128xf32, #tpu.memory_space<hbm>>
      %dma_start3A_113 = arith.constant 8 : i32
      %dma_start3A_114 = arith.constant 0 : i32
      %dma_start3A_115 = tpu.memref_slice %arg9[%dma_start3A_113, %dma_start3A_114] : memref<32x128xf32, #tpu.memory_space<vmem>> -> memref<8x128xf32, #tpu.memory_space<vmem>>
      tpu.enqueue_dma source(%dma_start3A_115 : memref<8x128xf32, #tpu.memory_space<vmem>>) target(%dma_start3A_112 : memref<8x128xf32, #tpu.memory_space<hbm>>) target_semaphore(%arg14 : memref<!tpu.dma_semaphore, #tpu.memory_space<semaphore_mem>>)
      %add3A_116 = arith.constant 0 : i32
      %add3A_117 = arith.addi %mul3A_2, %add3A_116 : i32
      %dma_start3A_118 = arith.constant 2 : i32
      %dma_start3A_119 = arith.constant 16 : i32
      %dma_start3A_120 = arith.constant 0 : i32
      %dma_start3A_121 = tpu.memref_slice %arg9[%dma_start3A_119, %dma_start3A_120] : memref<32x128xf32, #tpu.memory_space<vmem>> -> memref<8x128xf32, #tpu.memory_space<vmem>>
      %dma_start3A_122 = arith.constant 0 : i32
      %dma_start3A_123 = arith.constant 0 : i32
      %dma_start3A_124 = tpu.memref_slice %arg4[%scan3A_10, %dma_start3A_118, %add3A_117, %dma_start3A_122, %dma_start3A_123] : memref<50x4x128x8x128xf32, #tpu.memory_space<hbm>> -> memref<1x1x1x8x128xf32, #tpu.memory_space<hbm>>
      %dma_start3A_125 = tpu.memref_squeeze %dma_start3A_124 : memref<1x1x1x8x128xf32, #tpu.memory_space<hbm>> -> memref<8x128xf32, #tpu.memory_space<hbm>>
      %dma_start3A_126 = arith.constant 0 : i32
      %dma_start3A_127 = arith.constant 0 : i32
      %dma_start3A_128 = tpu.memref_slice %arg4[%scan3A_10, %dma_start3A_118, %add3A_117, %dma_start3A_126, %dma_start3A_127] : memref<50x4x128x8x128xf32, #tpu.memory_space<hbm>> -> memref<1x1x1x8x128xf32, #tpu.memory_space<hbm>>
      %dma_start3A_129 = tpu.memref_squeeze %dma_start3A_128 : memref<1x1x1x8x128xf32, #tpu.memory_space<hbm>> -> memref<8x128xf32, #tpu.memory_space<hbm>>
      %dma_start3A_130 = arith.constant 16 : i32
      %dma_start3A_131 = arith.constant 0 : i32
      %dma_start3A_132 = tpu.memref_slice %arg9[%dma_start3A_130, %dma_start3A_131] : memref<32x128xf32, #tpu.memory_space<vmem>> -> memref<8x128xf32, #tpu.memory_space<vmem>>
      tpu.enqueue_dma source(%dma_start3A_132 : memref<8x128xf32, #tpu.memory_space<vmem>>) target(%dma_start3A_129 : memref<8x128xf32, #tpu.memory_space<hbm>>) target_semaphore(%arg14 : memref<!tpu.dma_semaphore, #tpu.memory_space<semaphore_mem>>)
      %add3A_133 = arith.constant 0 : i32
      %add3A_134 = arith.addi %mul3A_2, %add3A_133 : i32
      %dma_start3A_135 = arith.constant 3 : i32
      %dma_start3A_136 = arith.constant 24 : i32
      %dma_start3A_137 = arith.constant 0 : i32
      %dma_start3A_138 = tpu.memref_slice %arg9[%dma_start3A_136, %dma_start3A_137] : memref<32x128xf32, #tpu.memory_space<vmem>> -> memref<8x128xf32, #tpu.memory_space<vmem>>
      %dma_start3A_139 = arith.constant 0 : i32
      %dma_start3A_140 = arith.constant 0 : i32
      %dma_start3A_141 = tpu.memref_slice %arg4[%scan3A_10, %dma_start3A_135, %add3A_134, %dma_start3A_139, %dma_start3A_140] : memref<50x4x128x8x128xf32, #tpu.memory_space<hbm>> -> memref<1x1x1x8x128xf32, #tpu.memory_space<hbm>>
      %dma_start3A_142 = tpu.memref_squeeze %dma_start3A_141 : memref<1x1x1x8x128xf32, #tpu.memory_space<hbm>> -> memref<8x128xf32, #tpu.memory_space<hbm>>
      %dma_start3A_143 = arith.constant 0 : i32
      %dma_start3A_144 = arith.constant 0 : i32
      %dma_start3A_145 = tpu.memref_slice %arg4[%scan3A_10, %dma_start3A_135, %add3A_134, %dma_start3A_143, %dma_start3A_144] : memref<50x4x128x8x128xf32, #tpu.memory_space<hbm>> -> memref<1x1x1x8x128xf32, #tpu.memory_space<hbm>>
      %dma_start3A_146 = tpu.memref_squeeze %dma_start3A_145 : memref<1x1x1x8x128xf32, #tpu.memory_space<hbm>> -> memref<8x128xf32, #tpu.memory_space<hbm>>
      %dma_start3A_147 = arith.constant 24 : i32
      %dma_start3A_148 = arith.constant 0 : i32
      %dma_start3A_149 = tpu.memref_slice %arg9[%dma_start3A_147, %dma_start3A_148] : memref<32x128xf32, #tpu.memory_space<vmem>> -> memref<8x128xf32, #tpu.memory_space<vmem>>
      tpu.enqueue_dma source(%dma_start3A_149 : memref<8x128xf32, #tpu.memory_space<vmem>>) target(%dma_start3A_146 : memref<8x128xf32, #tpu.memory_space<hbm>>) target_semaphore(%arg14 : memref<!tpu.dma_semaphore, #tpu.memory_space<semaphore_mem>>)
      %dma_wait3A_150 = arith.constant 1 : i32
      %dma_wait3A_151 = arith.constant 0 : i32
      %dma_wait3A_152 = tpu.memref_slice %arg6[%dma_wait3A_150, %dma_wait3A_151] : memref<4x128xi32, #tpu.memory_space<vmem>> -> memref<1x128xi32, #tpu.memory_space<vmem>>
      %dma_wait3A_153 = tpu.memref_squeeze %dma_wait3A_152 : memref<1x128xi32, #tpu.memory_space<vmem>> -> memref<128xi32, #tpu.memory_space<vmem>>
      %dma_wait3A_154 = arith.constant 0 : i32
      %dma_wait3A_155 = arith.constant 0 : i32
      %dma_wait3A_156 = tpu.memref_slice %arg3[%dma_wait3A_154, %dma_wait3A_155] : memref<1000000x32xf32, #tpu.memory_space<hbm>> -> memref<1000000x32xf32, #tpu.memory_space<hbm>>
      tpu.wait_indirect_dma semaphore(%arg13 : memref<!tpu.dma_semaphore, #tpu.memory_space<semaphore_mem>>) src(%dma_wait3A_156 : memref<1000000x32xf32, #tpu.memory_space<hbm>>) dst(%arg8 : memref<128x32xf32, #tpu.memory_space<vmem>>)
      %scan3A_157 = arith.constant 0 : i32
      %scan3A_158 = arith.constant 32 : i32
      %scan3A_159 = arith.addi %scan3A_157, %scan3A_158 : i32
      %scan3A_160 = arith.constant 1 : i32
      scf.for %scan3A_652 = %scan3A_157 to %scan3A_159 step %scan3A_160  : i32 {
        %mul3A_653 = arith.constant 4 : i32
        %mul3A_654 = arith.muli %scan3A_652, %mul3A_653 : i32
        %add3A_655 = arith.constant 0 : i32
        %add3A_656 = arith.addi %mul3A_654, %add3A_655 : i32
        %broadcast_in_dim3A = vector.broadcast %add3A_656 : i32 to vector<16xi32>
        %add3A_657 = arith.addi %broadcast_in_dim3A, %iota3A : vector<16xi32>
        %get3A = arith.index_cast %add3A_656 : i32 to index
        %get3A_658 = arith.constant 0 : index
        %get3A_659 = tpu.vector_load %arg8[%get3A, %get3A_658] {strides = array<i32>} : memref<128x32xf32, #tpu.memory_space<vmem>>, vector<16xf32>,
        %mul3A_660 = arith.constant 5.65685415 : f32
        %mul3A_661 = vector.broadcast %mul3A_660 : f32 to vector<16xf32>
        %mul3A_662 = arith.mulf %get3A_659, %mul3A_661 : vector<16xf32>
        tpu.vector_store_idx %arg11[%iota3A, %add3A_657], %mul3A_662 : memref<32x256xf32, #tpu.memory_space<vmem>>[vector<16xi32>, vector<16xi32>], vector<16xf32>,
        %add3A_663 = arith.addi %broadcast_in_dim3A, %add3A_5 : vector<16xi32>
        %get3A_664 = arith.index_cast %add3A_656 : i32 to index
        %get3A_665 = arith.constant 16 : index
        %get3A_666 = tpu.vector_load %arg8[%get3A_664, %get3A_665] {strides = array<i32>} : memref<128x32xf32, #tpu.memory_space<vmem>>, vector<16xf32>,
        %mul3A_667 = arith.constant 5.65685415 : f32
        %mul3A_668 = vector.broadcast %mul3A_667 : f32 to vector<16xf32>
        %mul3A_669 = arith.mulf %get3A_666, %mul3A_668 : vector<16xf32>
        tpu.vector_store_idx %arg11[%add3A_5, %add3A_663], %mul3A_669 : memref<32x256xf32, #tpu.memory_space<vmem>>[vector<16xi32>, vector<16xi32>], vector<16xf32>,
        %mul3A_670 = arith.constant 4 : i32
        %mul3A_671 = arith.muli %scan3A_652, %mul3A_670 : i32
        %add3A_672 = arith.constant 1 : i32
        %add3A_673 = arith.addi %mul3A_671, %add3A_672 : i32
        %broadcast_in_dim3A_674 = vector.broadcast %add3A_673 : i32 to vector<16xi32>
        %add3A_675 = arith.addi %broadcast_in_dim3A_674, %iota3A : vector<16xi32>
        %get3A_676 = arith.index_cast %add3A_673 : i32 to index
        %get3A_677 = arith.constant 0 : index
        %get3A_678 = tpu.vector_load %arg8[%get3A_676, %get3A_677] {strides = array<i32>} : memref<128x32xf32, #tpu.memory_space<vmem>>, vector<16xf32>,
        %mul3A_679 = arith.constant 5.65685415 : f32
        %mul3A_680 = vector.broadcast %mul3A_679 : f32 to vector<16xf32>
        %mul3A_681 = arith.mulf %get3A_678, %mul3A_680 : vector<16xf32>
        tpu.vector_store_idx %arg11[%iota3A, %add3A_675], %mul3A_681 : memref<32x256xf32, #tpu.memory_space<vmem>>[vector<16xi32>, vector<16xi32>], vector<16xf32>,
        %add3A_682 = arith.addi %broadcast_in_dim3A_674, %add3A_5 : vector<16xi32>
        %get3A_683 = arith.index_cast %add3A_673 : i32 to index
        %get3A_684 = arith.constant 16 : index
        %get3A_685 = tpu.vector_load %arg8[%get3A_683, %get3A_684] {strides = array<i32>} : memref<128x32xf32, #tpu.memory_space<vmem>>, vector<16xf32>,
        %mul3A_686 = arith.constant 5.65685415 : f32
        %mul3A_687 = vector.broadcast %mul3A_686 : f32 to vector<16xf32>
        %mul3A_688 = arith.mulf %get3A_685, %mul3A_687 : vector<16xf32>
        tpu.vector_store_idx %arg11[%add3A_5, %add3A_682], %mul3A_688 : memref<32x256xf32, #tpu.memory_space<vmem>>[vector<16xi32>, vector<16xi32>], vector<16xf32>,
        %mul3A_689 = arith.constant 4 : i32
        %mul3A_690 = arith.muli %scan3A_652, %mul3A_689 : i32
        %add3A_691 = arith.constant 2 : i32
        %add3A_692 = arith.addi %mul3A_690, %add3A_691 : i32
        %broadcast_in_dim3A_693 = vector.broadcast %add3A_692 : i32 to vector<16xi32>
        %add3A_694 = arith.addi %broadcast_in_dim3A_693, %iota3A : vector<16xi32>
        %get3A_695 = arith.index_cast %add3A_692 : i32 to index
        %get3A_696 = arith.constant 0 : index
        %get3A_697 = tpu.vector_load %arg8[%get3A_695, %get3A_696] {strides = array<i32>} : memref<128x32xf32, #tpu.memory_space<vmem>>, vector<16xf32>,
        %mul3A_698 = arith.constant 5.65685415 : f32
        %mul3A_699 = vector.broadcast %mul3A_698 : f32 to vector<16xf32>
        %mul3A_700 = arith.mulf %get3A_697, %mul3A_699 : vector<16xf32>
        tpu.vector_store_idx %arg11[%iota3A, %add3A_694], %mul3A_700 : memref<32x256xf32, #tpu.memory_space<vmem>>[vector<16xi32>, vector<16xi32>], vector<16xf32>,
        %add3A_701 = arith.addi %broadcast_in_dim3A_693, %add3A_5 : vector<16xi32>
        %get3A_702 = arith.index_cast %add3A_692 : i32 to index
        %get3A_703 = arith.constant 16 : index
        %get3A_704 = tpu.vector_load %arg8[%get3A_702, %get3A_703] {strides = array<i32>} : memref<128x32xf32, #tpu.memory_space<vmem>>, vector<16xf32>,
        %mul3A_705 = arith.constant 5.65685415 : f32
        %mul3A_706 = vector.broadcast %mul3A_705 : f32 to vector<16xf32>
        %mul3A_707 = arith.mulf %get3A_704, %mul3A_706 : vector<16xf32>
        tpu.vector_store_idx %arg11[%add3A_5, %add3A_701], %mul3A_707 : memref<32x256xf32, #tpu.memory_space<vmem>>[vector<16xi32>, vector<16xi32>], vector<16xf32>,
        %mul3A_708 = arith.constant 4 : i32
        %mul3A_709 = arith.muli %scan3A_652, %mul3A_708 : i32
        %add3A_710 = arith.constant 3 : i32
        %add3A_711 = arith.addi %mul3A_709, %add3A_710 : i32
        %broadcast_in_dim3A_712 = vector.broadcast %add3A_711 : i32 to vector<16xi32>
        %add3A_713 = arith.addi %broadcast_in_dim3A_712, %iota3A : vector<16xi32>
        %get3A_714 = arith.index_cast %add3A_711 : i32 to index
        %get3A_715 = arith.constant 0 : index
        %get3A_716 = tpu.vector_load %arg8[%get3A_714, %get3A_715] {strides = array<i32>} : memref<128x32xf32, #tpu.memory_space<vmem>>, vector<16xf32>,
        %mul3A_717 = arith.constant 5.65685415 : f32
        %mul3A_718 = vector.broadcast %mul3A_717 : f32 to vector<16xf32>
        %mul3A_719 = arith.mulf %get3A_716, %mul3A_718 : vector<16xf32>
        tpu.vector_store_idx %arg11[%iota3A, %add3A_713], %mul3A_719 : memref<32x256xf32, #tpu.memory_space<vmem>>[vector<16xi32>, vector<16xi32>], vector<16xf32>,
        %add3A_720 = arith.addi %broadcast_in_dim3A_712, %add3A_5 : vector<16xi32>
        %get3A_721 = arith.index_cast %add3A_711 : i32 to index
        %get3A_722 = arith.constant 16 : index
        %get3A_723 = tpu.vector_load %arg8[%get3A_721, %get3A_722] {strides = array<i32>} : memref<128x32xf32, #tpu.memory_space<vmem>>, vector<16xf32>,
        %mul3A_724 = arith.constant 5.65685415 : f32
        %mul3A_725 = vector.broadcast %mul3A_724 : f32 to vector<16xf32>
        %mul3A_726 = arith.mulf %get3A_723, %mul3A_725 : vector<16xf32>
        tpu.vector_store_idx %arg11[%add3A_5, %add3A_720], %mul3A_726 : memref<32x256xf32, #tpu.memory_space<vmem>>[vector<16xi32>, vector<16xi32>], vector<16xf32>,
      }
      %scan3A_161 = arith.constant 32 : i32
      %scan3A_162 = arith.constant 0 : i32
      %scan3A_163 = arith.constant 32 : i32
      %scan3A_164 = arith.addi %scan3A_162, %scan3A_163 : i32
      %scan3A_165 = arith.constant 1 : i32
      scf.for %scan3A_652 = %scan3A_162 to %scan3A_164 step %scan3A_165  : i32 {
        %add3A_653 = arith.constant 0 : i32
        %add3A_654 = arith.addi %scan3A_652, %add3A_653 : i32
        %get3A = arith.index_cast %scan3A_652 : i32 to index
        %get3A_655 = arith.index_cast %add3A_654 : i32 to index
        %get3A_656 = tpu.vector_load %arg11[%get3A, %get3A_655] {strides = array<i32>} : memref<32x256xf32, #tpu.memory_space<vmem>>, vector<16xf32>,
        %swap3A = arith.index_cast %scan3A_652 : i32 to index
        %swap3A_657 = arith.constant 0 : index
        %swap3A_658 = tpu.vector_load %arg10[%swap3A, %swap3A_657] {strides = array<i32>} : memref<32x128xf32, #tpu.memory_space<vmem>>, vector<16xf32>,
        tpu.vector_store %arg10[%swap3A, %swap3A_657], %get3A_656 {strides = array<i32>} : memref<32x128xf32, #tpu.memory_space<vmem>>, vector<16xf32>,
        %add3A_659 = arith.constant 16 : i32
        %add3A_660 = arith.addi %scan3A_652, %add3A_659 : i32
        %get3A_661 = arith.index_cast %scan3A_652 : i32 to index
        %get3A_662 = arith.index_cast %add3A_660 : i32 to index
        %get3A_663 = tpu.vector_load %arg11[%get3A_661, %get3A_662] {strides = array<i32>} : memref<32x256xf32, #tpu.memory_space<vmem>>, vector<16xf32>,
        %swap3A_664 = arith.index_cast %scan3A_652 : i32 to index
        %swap3A_665 = arith.constant 16 : index
        %swap3A_666 = tpu.vector_load %arg10[%swap3A_664, %swap3A_665] {strides = array<i32>} : memref<32x128xf32, #tpu.memory_space<vmem>>, vector<16xf32>,
        tpu.vector_store %arg10[%swap3A_664, %swap3A_665], %get3A_663 {strides = array<i32>} : memref<32x128xf32, #tpu.memory_space<vmem>>, vector<16xf32>,
        %add3A_667 = arith.constant 32 : i32
        %add3A_668 = arith.addi %scan3A_652, %add3A_667 : i32
        %get3A_669 = arith.index_cast %scan3A_652 : i32 to index
        %get3A_670 = arith.index_cast %add3A_668 : i32 to index
        %get3A_671 = tpu.vector_load %arg11[%get3A_669, %get3A_670] {strides = array<i32>} : memref<32x256xf32, #tpu.memory_space<vmem>>, vector<16xf32>,
        %swap3A_672 = arith.index_cast %scan3A_652 : i32 to index
        %swap3A_673 = arith.constant 32 : index
        %swap3A_674 = tpu.vector_load %arg10[%swap3A_672, %swap3A_673] {strides = array<i32>} : memref<32x128xf32, #tpu.memory_space<vmem>>, vector<16xf32>,
        tpu.vector_store %arg10[%swap3A_672, %swap3A_673], %get3A_671 {strides = array<i32>} : memref<32x128xf32, #tpu.memory_space<vmem>>, vector<16xf32>,
        %add3A_675 = arith.constant 48 : i32
        %add3A_676 = arith.addi %scan3A_652, %add3A_675 : i32
        %get3A_677 = arith.index_cast %scan3A_652 : i32 to index
        %get3A_678 = arith.index_cast %add3A_676 : i32 to index
        %get3A_679 = tpu.vector_load %arg11[%get3A_677, %get3A_678] {strides = array<i32>} : memref<32x256xf32, #tpu.memory_space<vmem>>, vector<16xf32>,
        %swap3A_680 = arith.index_cast %scan3A_652 : i32 to index
        %swap3A_681 = arith.constant 48 : index
        %swap3A_682 = tpu.vector_load %arg10[%swap3A_680, %swap3A_681] {strides = array<i32>} : memref<32x128xf32, #tpu.memory_space<vmem>>, vector<16xf32>,
        tpu.vector_store %arg10[%swap3A_680, %swap3A_681], %get3A_679 {strides = array<i32>} : memref<32x128xf32, #tpu.memory_space<vmem>>, vector<16xf32>,
        %add3A_683 = arith.constant 64 : i32
        %add3A_684 = arith.addi %scan3A_652, %add3A_683 : i32
        %get3A_685 = arith.index_cast %scan3A_652 : i32 to index
        %get3A_686 = arith.index_cast %add3A_684 : i32 to index
        %get3A_687 = tpu.vector_load %arg11[%get3A_685, %get3A_686] {strides = array<i32>} : memref<32x256xf32, #tpu.memory_space<vmem>>, vector<16xf32>,
        %swap3A_688 = arith.index_cast %scan3A_652 : i32 to index
        %swap3A_689 = arith.constant 64 : index
        %swap3A_690 = tpu.vector_load %arg10[%swap3A_688, %swap3A_689] {strides = array<i32>} : memref<32x128xf32, #tpu.memory_space<vmem>>, vector<16xf32>,
        tpu.vector_store %arg10[%swap3A_688, %swap3A_689], %get3A_687 {strides = array<i32>} : memref<32x128xf32, #tpu.memory_space<vmem>>, vector<16xf32>,
        %add3A_691 = arith.constant 80 : i32
        %add3A_692 = arith.addi %scan3A_652, %add3A_691 : i32
        %get3A_693 = arith.index_cast %scan3A_652 : i32 to index
        %get3A_694 = arith.index_cast %add3A_692 : i32 to index
        %get3A_695 = tpu.vector_load %arg11[%get3A_693, %get3A_694] {strides = array<i32>} : memref<32x256xf32, #tpu.memory_space<vmem>>, vector<16xf32>,
        %swap3A_696 = arith.index_cast %scan3A_652 : i32 to index
        %swap3A_697 = arith.constant 80 : index
        %swap3A_698 = tpu.vector_load %arg10[%swap3A_696, %swap3A_697] {strides = array<i32>} : memref<32x128xf32, #tpu.memory_space<vmem>>, vector<16xf32>,
        tpu.vector_store %arg10[%swap3A_696, %swap3A_697], %get3A_695 {strides = array<i32>} : memref<32x128xf32, #tpu.memory_space<vmem>>, vector<16xf32>,
        %add3A_699 = arith.constant 96 : i32
        %add3A_700 = arith.addi %scan3A_652, %add3A_699 : i32
        %get3A_701 = arith.index_cast %scan3A_652 : i32 to index
        %get3A_702 = arith.index_cast %add3A_700 : i32 to index
        %get3A_703 = tpu.vector_load %arg11[%get3A_701, %get3A_702] {strides = array<i32>} : memref<32x256xf32, #tpu.memory_space<vmem>>, vector<16xf32>,
        %swap3A_704 = arith.index_cast %scan3A_652 : i32 to index
        %swap3A_705 = arith.constant 96 : index
        %swap3A_706 = tpu.vector_load %arg10[%swap3A_704, %swap3A_705] {strides = array<i32>} : memref<32x128xf32, #tpu.memory_space<vmem>>, vector<16xf32>,
        tpu.vector_store %arg10[%swap3A_704, %swap3A_705], %get3A_703 {strides = array<i32>} : memref<32x128xf32, #tpu.memory_space<vmem>>, vector<16xf32>,
        %add3A_707 = arith.constant 112 : i32
        %add3A_708 = arith.addi %scan3A_652, %add3A_707 : i32
        %get3A_709 = arith.index_cast %scan3A_652 : i32 to index
        %get3A_710 = arith.index_cast %add3A_708 : i32 to index
        %get3A_711 = tpu.vector_load %arg11[%get3A_709, %get3A_710] {strides = array<i32>} : memref<32x256xf32, #tpu.memory_space<vmem>>, vector<16xf32>,
        %swap3A_712 = arith.index_cast %scan3A_652 : i32 to index
        %swap3A_713 = arith.constant 112 : index
        %swap3A_714 = tpu.vector_load %arg10[%swap3A_712, %swap3A_713] {strides = array<i32>} : memref<32x128xf32, #tpu.memory_space<vmem>>, vector<16xf32>,
        tpu.vector_store %arg10[%swap3A_712, %swap3A_713], %get3A_711 {strides = array<i32>} : memref<32x128xf32, #tpu.memory_space<vmem>>, vector<16xf32>,
      }
      %scan3A_166 = arith.constant 32 : i32
      %dma_start3A_167 = arith.constant 3 : i32
      %dma_start3A_168 = arith.constant 0 : i32
      %dma_start3A_169 = tpu.memref_slice %arg6[%dma_start3A_167, %dma_start3A_168] : memref<4x128xi32, #tpu.memory_space<vmem>> -> memref<1x128xi32, #tpu.memory_space<vmem>>
      %dma_start3A_170 = tpu.memref_squeeze %dma_start3A_169 : memref<1x128xi32, #tpu.memory_space<vmem>> -> memref<128xi32, #tpu.memory_space<vmem>>
      %dma_start3A_171 = arith.constant 0 : i32
      %dma_start3A_172 = arith.constant 0 : i32
      %dma_start3A_173 = tpu.memref_slice %arg3[%dma_start3A_171, %dma_start3A_172] : memref<1000000x32xf32, #tpu.memory_space<hbm>> -> memref<1000000x32xf32, #tpu.memory_space<hbm>>
      tpu.enqueue_indirect_dma source(%dma_start3A_173 : memref<1000000x32xf32, #tpu.memory_space<hbm>>) target(%arg8 : memref<128x32xf32, #tpu.memory_space<vmem>>) offsets(%dma_start3A_170 : memref<128xi32, #tpu.memory_space<vmem>>) semaphore(%arg13 : memref<!tpu.dma_semaphore, #tpu.memory_space<semaphore_mem>>)
      %add3A_174 = arith.constant 1 : i32
      %add3A_175 = arith.addi %mul3A_2, %add3A_174 : i32
      %dma_start3A_176 = arith.constant 0 : i32
      %dma_start3A_177 = arith.constant 0 : i32
      %dma_start3A_178 = arith.constant 0 : i32
      %dma_start3A_179 = tpu.memref_slice %arg10[%dma_start3A_177, %dma_start3A_178] : memref<32x128xf32, #tpu.memory_space<vmem>> -> memref<8x128xf32, #tpu.memory_space<vmem>>
      %dma_start3A_180 = arith.constant 0 : i32
      %dma_start3A_181 = arith.constant 0 : i32
      %dma_start3A_182 = tpu.memref_slice %arg4[%scan3A_10, %dma_start3A_176, %add3A_175, %dma_start3A_180, %dma_start3A_181] : memref<50x4x128x8x128xf32, #tpu.memory_space<hbm>> -> memref<1x1x1x8x128xf32, #tpu.memory_space<hbm>>
      %dma_start3A_183 = tpu.memref_squeeze %dma_start3A_182 : memref<1x1x1x8x128xf32, #tpu.memory_space<hbm>> -> memref<8x128xf32, #tpu.memory_space<hbm>>
      %dma_start3A_184 = arith.constant 0 : i32
      %dma_start3A_185 = arith.constant 0 : i32
      %dma_start3A_186 = tpu.memref_slice %arg4[%scan3A_10, %dma_start3A_176, %add3A_175, %dma_start3A_184, %dma_start3A_185] : memref<50x4x128x8x128xf32, #tpu.memory_space<hbm>> -> memref<1x1x1x8x128xf32, #tpu.memory_space<hbm>>
      %dma_start3A_187 = tpu.memref_squeeze %dma_start3A_186 : memref<1x1x1x8x128xf32, #tpu.memory_space<hbm>> -> memref<8x128xf32, #tpu.memory_space<hbm>>
      %dma_start3A_188 = arith.constant 0 : i32
      %dma_start3A_189 = arith.constant 0 : i32
      %dma_start3A_190 = tpu.memref_slice %arg10[%dma_start3A_188, %dma_start3A_189] : memref<32x128xf32, #tpu.memory_space<vmem>> -> memref<8x128xf32, #tpu.memory_space<vmem>>
      tpu.enqueue_dma source(%dma_start3A_190 : memref<8x128xf32, #tpu.memory_space<vmem>>) target(%dma_start3A_187 : memref<8x128xf32, #tpu.memory_space<hbm>>) target_semaphore(%arg15 : memref<!tpu.dma_semaphore, #tpu.memory_space<semaphore_mem>>)
      %add3A_191 = arith.constant 1 : i32
      %add3A_192 = arith.addi %mul3A_2, %add3A_191 : i32
      %dma_start3A_193 = arith.constant 1 : i32
      %dma_start3A_194 = arith.constant 8 : i32
      %dma_start3A_195 = arith.constant 0 : i32
      %dma_start3A_196 = tpu.memref_slice %arg10[%dma_start3A_194, %dma_start3A_195] : memref<32x128xf32, #tpu.memory_space<vmem>> -> memref<8x128xf32, #tpu.memory_space<vmem>>
      %dma_start3A_197 = arith.constant 0 : i32
      %dma_start3A_198 = arith.constant 0 : i32
      %dma_start3A_199 = tpu.memref_slice %arg4[%scan3A_10, %dma_start3A_193, %add3A_192, %dma_start3A_197, %dma_start3A_198] : memref<50x4x128x8x128xf32, #tpu.memory_space<hbm>> -> memref<1x1x1x8x128xf32, #tpu.memory_space<hbm>>
      %dma_start3A_200 = tpu.memref_squeeze %dma_start3A_199 : memref<1x1x1x8x128xf32, #tpu.memory_space<hbm>> -> memref<8x128xf32, #tpu.memory_space<hbm>>
      %dma_start3A_201 = arith.constant 0 : i32
      %dma_start3A_202 = arith.constant 0 : i32
      %dma_start3A_203 = tpu.memref_slice %arg4[%scan3A_10, %dma_start3A_193, %add3A_192, %dma_start3A_201, %dma_start3A_202] : memref<50x4x128x8x128xf32, #tpu.memory_space<hbm>> -> memref<1x1x1x8x128xf32, #tpu.memory_space<hbm>>
      %dma_start3A_204 = tpu.memref_squeeze %dma_start3A_203 : memref<1x1x1x8x128xf32, #tpu.memory_space<hbm>> -> memref<8x128xf32, #tpu.memory_space<hbm>>
      %dma_start3A_205 = arith.constant 8 : i32
      %dma_start3A_206 = arith.constant 0 : i32
      %dma_start3A_207 = tpu.memref_slice %arg10[%dma_start3A_205, %dma_start3A_206] : memref<32x128xf32, #tpu.memory_space<vmem>> -> memref<8x128xf32, #tpu.memory_space<vmem>>
      tpu.enqueue_dma source(%dma_start3A_207 : memref<8x128xf32, #tpu.memory_space<vmem>>) target(%dma_start3A_204 : memref<8x128xf32, #tpu.memory_space<hbm>>) target_semaphore(%arg15 : memref<!tpu.dma_semaphore, #tpu.memory_space<semaphore_mem>>)
      %add3A_208 = arith.constant 1 : i32
      %add3A_209 = arith.addi %mul3A_2, %add3A_208 : i32
      %dma_start3A_210 = arith.constant 2 : i32
      %dma_start3A_211 = arith.constant 16 : i32
      %dma_start3A_212 = arith.constant 0 : i32
      %dma_start3A_213 = tpu.memref_slice %arg10[%dma_start3A_211, %dma_start3A_212] : memref<32x128xf32, #tpu.memory_space<vmem>> -> memref<8x128xf32, #tpu.memory_space<vmem>>
      %dma_start3A_214 = arith.constant 0 : i32
      %dma_start3A_215 = arith.constant 0 : i32
      %dma_start3A_216 = tpu.memref_slice %arg4[%scan3A_10, %dma_start3A_210, %add3A_209, %dma_start3A_214, %dma_start3A_215] : memref<50x4x128x8x128xf32, #tpu.memory_space<hbm>> -> memref<1x1x1x8x128xf32, #tpu.memory_space<hbm>>
      %dma_start3A_217 = tpu.memref_squeeze %dma_start3A_216 : memref<1x1x1x8x128xf32, #tpu.memory_space<hbm>> -> memref<8x128xf32, #tpu.memory_space<hbm>>
      %dma_start3A_218 = arith.constant 0 : i32
      %dma_start3A_219 = arith.constant 0 : i32
      %dma_start3A_220 = tpu.memref_slice %arg4[%scan3A_10, %dma_start3A_210, %add3A_209, %dma_start3A_218, %dma_start3A_219] : memref<50x4x128x8x128xf32, #tpu.memory_space<hbm>> -> memref<1x1x1x8x128xf32, #tpu.memory_space<hbm>>
      %dma_start3A_221 = tpu.memref_squeeze %dma_start3A_220 : memref<1x1x1x8x128xf32, #tpu.memory_space<hbm>> -> memref<8x128xf32, #tpu.memory_space<hbm>>
      %dma_start3A_222 = arith.constant 16 : i32
      %dma_start3A_223 = arith.constant 0 : i32
      %dma_start3A_224 = tpu.memref_slice %arg10[%dma_start3A_222, %dma_start3A_223] : memref<32x128xf32, #tpu.memory_space<vmem>> -> memref<8x128xf32, #tpu.memory_space<vmem>>
      tpu.enqueue_dma source(%dma_start3A_224 : memref<8x128xf32, #tpu.memory_space<vmem>>) target(%dma_start3A_221 : memref<8x128xf32, #tpu.memory_space<hbm>>) target_semaphore(%arg15 : memref<!tpu.dma_semaphore, #tpu.memory_space<semaphore_mem>>)
      %add3A_225 = arith.constant 1 : i32
      %add3A_226 = arith.addi %mul3A_2, %add3A_225 : i32
      %dma_start3A_227 = arith.constant 3 : i32
      %dma_start3A_228 = arith.constant 24 : i32
      %dma_start3A_229 = arith.constant 0 : i32
      %dma_start3A_230 = tpu.memref_slice %arg10[%dma_start3A_228, %dma_start3A_229] : memref<32x128xf32, #tpu.memory_space<vmem>> -> memref<8x128xf32, #tpu.memory_space<vmem>>
      %dma_start3A_231 = arith.constant 0 : i32
      %dma_start3A_232 = arith.constant 0 : i32
      %dma_start3A_233 = tpu.memref_slice %arg4[%scan3A_10, %dma_start3A_227, %add3A_226, %dma_start3A_231, %dma_start3A_232] : memref<50x4x128x8x128xf32, #tpu.memory_space<hbm>> -> memref<1x1x1x8x128xf32, #tpu.memory_space<hbm>>
      %dma_start3A_234 = tpu.memref_squeeze %dma_start3A_233 : memref<1x1x1x8x128xf32, #tpu.memory_space<hbm>> -> memref<8x128xf32, #tpu.memory_space<hbm>>
      %dma_start3A_235 = arith.constant 0 : i32
      %dma_start3A_236 = arith.constant 0 : i32
      %dma_start3A_237 = tpu.memref_slice %arg4[%scan3A_10, %dma_start3A_227, %add3A_226, %dma_start3A_235, %dma_start3A_236] : memref<50x4x128x8x128xf32, #tpu.memory_space<hbm>> -> memref<1x1x1x8x128xf32, #tpu.memory_space<hbm>>
      %dma_start3A_238 = tpu.memref_squeeze %dma_start3A_237 : memref<1x1x1x8x128xf32, #tpu.memory_space<hbm>> -> memref<8x128xf32, #tpu.memory_space<hbm>>
      %dma_start3A_239 = arith.constant 24 : i32
      %dma_start3A_240 = arith.constant 0 : i32
      %dma_start3A_241 = tpu.memref_slice %arg10[%dma_start3A_239, %dma_start3A_240] : memref<32x128xf32, #tpu.memory_space<vmem>> -> memref<8x128xf32, #tpu.memory_space<vmem>>
      tpu.enqueue_dma source(%dma_start3A_241 : memref<8x128xf32, #tpu.memory_space<vmem>>) target(%dma_start3A_238 : memref<8x128xf32, #tpu.memory_space<hbm>>) target_semaphore(%arg15 : memref<!tpu.dma_semaphore, #tpu.memory_space<semaphore_mem>>)
      %dma_wait3A_242 = arith.constant 2 : i32
      %dma_wait3A_243 = arith.constant 0 : i32
      %dma_wait3A_244 = tpu.memref_slice %arg6[%dma_wait3A_242, %dma_wait3A_243] : memref<4x128xi32, #tpu.memory_space<vmem>> -> memref<1x128xi32, #tpu.memory_space<vmem>>
      %dma_wait3A_245 = tpu.memref_squeeze %dma_wait3A_244 : memref<1x128xi32, #tpu.memory_space<vmem>> -> memref<128xi32, #tpu.memory_space<vmem>>
      %dma_wait3A_246 = arith.constant 0 : i32
      %dma_wait3A_247 = arith.constant 0 : i32
      %dma_wait3A_248 = tpu.memref_slice %arg3[%dma_wait3A_246, %dma_wait3A_247] : memref<1000000x32xf32, #tpu.memory_space<hbm>> -> memref<1000000x32xf32, #tpu.memory_space<hbm>>
      tpu.wait_indirect_dma semaphore(%arg12 : memref<!tpu.dma_semaphore, #tpu.memory_space<semaphore_mem>>) src(%dma_wait3A_248 : memref<1000000x32xf32, #tpu.memory_space<hbm>>) dst(%arg7 : memref<128x32xf32, #tpu.memory_space<vmem>>)
      %dma_wait3A_249 = arith.constant 0 : i32
      %dma_wait3A_250 = arith.constant 0 : i32
      %dma_wait3A_251 = arith.constant 0 : i32
      %dma_wait3A_252 = tpu.memref_slice %arg9[%dma_wait3A_250, %dma_wait3A_251] : memref<32x128xf32, #tpu.memory_space<vmem>> -> memref<8x128xf32, #tpu.memory_space<vmem>>
      %dma_wait3A_253 = arith.constant 0 : i32
      %dma_wait3A_254 = arith.constant 0 : i32
      %dma_wait3A_255 = tpu.memref_slice %arg4[%scan3A_10, %dma_wait3A_249, %add3A_83, %dma_wait3A_253, %dma_wait3A_254] : memref<50x4x128x8x128xf32, #tpu.memory_space<hbm>> -> memref<1x1x1x8x128xf32, #tpu.memory_space<hbm>>
      %dma_wait3A_256 = tpu.memref_squeeze %dma_wait3A_255 : memref<1x1x1x8x128xf32, #tpu.memory_space<hbm>> -> memref<8x128xf32, #tpu.memory_space<hbm>>
      %dma_wait3A_257 = arith.constant 0 : i32
      %dma_wait3A_258 = arith.constant 0 : i32
      %dma_wait3A_259 = tpu.memref_slice %arg4[%scan3A_10, %dma_wait3A_249, %add3A_83, %dma_wait3A_257, %dma_wait3A_258] : memref<50x4x128x8x128xf32, #tpu.memory_space<hbm>> -> memref<1x1x1x8x128xf32, #tpu.memory_space<hbm>>
      %dma_wait3A_260 = tpu.memref_squeeze %dma_wait3A_259 : memref<1x1x1x8x128xf32, #tpu.memory_space<hbm>> -> memref<8x128xf32, #tpu.memory_space<hbm>>
      %dma_wait3A_261 = arith.constant 0 : i32
      %dma_wait3A_262 = arith.constant 0 : i32
      %dma_wait3A_263 = tpu.memref_slice %arg9[%dma_wait3A_261, %dma_wait3A_262] : memref<32x128xf32, #tpu.memory_space<vmem>> -> memref<8x128xf32, #tpu.memory_space<vmem>>
      tpu.wait_dma2 semaphore(%arg14 : memref<!tpu.dma_semaphore, #tpu.memory_space<semaphore_mem>>) src(%dma_wait3A_263 : memref<8x128xf32, #tpu.memory_space<vmem>>) dst(%dma_wait3A_260 : memref<8x128xf32, #tpu.memory_space<hbm>>)
      %dma_wait3A_264 = arith.constant 1 : i32
      %dma_wait3A_265 = arith.constant 8 : i32
      %dma_wait3A_266 = arith.constant 0 : i32
      %dma_wait3A_267 = tpu.memref_slice %arg9[%dma_wait3A_265, %dma_wait3A_266] : memref<32x128xf32, #tpu.memory_space<vmem>> -> memref<8x128xf32, #tpu.memory_space<vmem>>
      %dma_wait3A_268 = arith.constant 0 : i32
      %dma_wait3A_269 = arith.constant 0 : i32
      %dma_wait3A_270 = tpu.memref_slice %arg4[%scan3A_10, %dma_wait3A_264, %add3A_100, %dma_wait3A_268, %dma_wait3A_269] : memref<50x4x128x8x128xf32, #tpu.memory_space<hbm>> -> memref<1x1x1x8x128xf32, #tpu.memory_space<hbm>>
      %dma_wait3A_271 = tpu.memref_squeeze %dma_wait3A_270 : memref<1x1x1x8x128xf32, #tpu.memory_space<hbm>> -> memref<8x128xf32, #tpu.memory_space<hbm>>
      %dma_wait3A_272 = arith.constant 0 : i32
      %dma_wait3A_273 = arith.constant 0 : i32
      %dma_wait3A_274 = tpu.memref_slice %arg4[%scan3A_10, %dma_wait3A_264, %add3A_100, %dma_wait3A_272, %dma_wait3A_273] : memref<50x4x128x8x128xf32, #tpu.memory_space<hbm>> -> memref<1x1x1x8x128xf32, #tpu.memory_space<hbm>>
      %dma_wait3A_275 = tpu.memref_squeeze %dma_wait3A_274 : memref<1x1x1x8x128xf32, #tpu.memory_space<hbm>> -> memref<8x128xf32, #tpu.memory_space<hbm>>
      %dma_wait3A_276 = arith.constant 8 : i32
      %dma_wait3A_277 = arith.constant 0 : i32
      %dma_wait3A_278 = tpu.memref_slice %arg9[%dma_wait3A_276, %dma_wait3A_277] : memref<32x128xf32, #tpu.memory_space<vmem>> -> memref<8x128xf32, #tpu.memory_space<vmem>>
      tpu.wait_dma2 semaphore(%arg14 : memref<!tpu.dma_semaphore, #tpu.memory_space<semaphore_mem>>) src(%dma_wait3A_278 : memref<8x128xf32, #tpu.memory_space<vmem>>) dst(%dma_wait3A_275 : memref<8x128xf32, #tpu.memory_space<hbm>>)
      %dma_wait3A_279 = arith.constant 2 : i32
      %dma_wait3A_280 = arith.constant 16 : i32
      %dma_wait3A_281 = arith.constant 0 : i32
      %dma_wait3A_282 = tpu.memref_slice %arg9[%dma_wait3A_280, %dma_wait3A_281] : memref<32x128xf32, #tpu.memory_space<vmem>> -> memref<8x128xf32, #tpu.memory_space<vmem>>
      %dma_wait3A_283 = arith.constant 0 : i32
      %dma_wait3A_284 = arith.constant 0 : i32
      %dma_wait3A_285 = tpu.memref_slice %arg4[%scan3A_10, %dma_wait3A_279, %add3A_117, %dma_wait3A_283, %dma_wait3A_284] : memref<50x4x128x8x128xf32, #tpu.memory_space<hbm>> -> memref<1x1x1x8x128xf32, #tpu.memory_space<hbm>>
      %dma_wait3A_286 = tpu.memref_squeeze %dma_wait3A_285 : memref<1x1x1x8x128xf32, #tpu.memory_space<hbm>> -> memref<8x128xf32, #tpu.memory_space<hbm>>
      %dma_wait3A_287 = arith.constant 0 : i32
      %dma_wait3A_288 = arith.constant 0 : i32
      %dma_wait3A_289 = tpu.memref_slice %arg4[%scan3A_10, %dma_wait3A_279, %add3A_117, %dma_wait3A_287, %dma_wait3A_288] : memref<50x4x128x8x128xf32, #tpu.memory_space<hbm>> -> memref<1x1x1x8x128xf32, #tpu.memory_space<hbm>>
      %dma_wait3A_290 = tpu.memref_squeeze %dma_wait3A_289 : memref<1x1x1x8x128xf32, #tpu.memory_space<hbm>> -> memref<8x128xf32, #tpu.memory_space<hbm>>
      %dma_wait3A_291 = arith.constant 16 : i32
      %dma_wait3A_292 = arith.constant 0 : i32
      %dma_wait3A_293 = tpu.memref_slice %arg9[%dma_wait3A_291, %dma_wait3A_292] : memref<32x128xf32, #tpu.memory_space<vmem>> -> memref<8x128xf32, #tpu.memory_space<vmem>>
      tpu.wait_dma2 semaphore(%arg14 : memref<!tpu.dma_semaphore, #tpu.memory_space<semaphore_mem>>) src(%dma_wait3A_293 : memref<8x128xf32, #tpu.memory_space<vmem>>) dst(%dma_wait3A_290 : memref<8x128xf32, #tpu.memory_space<hbm>>)
      %dma_wait3A_294 = arith.constant 3 : i32
      %dma_wait3A_295 = arith.constant 24 : i32
      %dma_wait3A_296 = arith.constant 0 : i32
      %dma_wait3A_297 = tpu.memref_slice %arg9[%dma_wait3A_295, %dma_wait3A_296] : memref<32x128xf32, #tpu.memory_space<vmem>> -> memref<8x128xf32, #tpu.memory_space<vmem>>
      %dma_wait3A_298 = arith.constant 0 : i32
      %dma_wait3A_299 = arith.constant 0 : i32
      %dma_wait3A_300 = tpu.memref_slice %arg4[%scan3A_10, %dma_wait3A_294, %add3A_134, %dma_wait3A_298, %dma_wait3A_299] : memref<50x4x128x8x128xf32, #tpu.memory_space<hbm>> -> memref<1x1x1x8x128xf32, #tpu.memory_space<hbm>>
      %dma_wait3A_301 = tpu.memref_squeeze %dma_wait3A_300 : memref<1x1x1x8x128xf32, #tpu.memory_space<hbm>> -> memref<8x128xf32, #tpu.memory_space<hbm>>
      %dma_wait3A_302 = arith.constant 0 : i32
      %dma_wait3A_303 = arith.constant 0 : i32
      %dma_wait3A_304 = tpu.memref_slice %arg4[%scan3A_10, %dma_wait3A_294, %add3A_134, %dma_wait3A_302, %dma_wait3A_303] : memref<50x4x128x8x128xf32, #tpu.memory_space<hbm>> -> memref<1x1x1x8x128xf32, #tpu.memory_space<hbm>>
      %dma_wait3A_305 = tpu.memref_squeeze %dma_wait3A_304 : memref<1x1x1x8x128xf32, #tpu.memory_space<hbm>> -> memref<8x128xf32, #tpu.memory_space<hbm>>
      %dma_wait3A_306 = arith.constant 24 : i32
      %dma_wait3A_307 = arith.constant 0 : i32
      %dma_wait3A_308 = tpu.memref_slice %arg9[%dma_wait3A_306, %dma_wait3A_307] : memref<32x128xf32, #tpu.memory_space<vmem>> -> memref<8x128xf32, #tpu.memory_space<vmem>>
      tpu.wait_dma2 semaphore(%arg14 : memref<!tpu.dma_semaphore, #tpu.memory_space<semaphore_mem>>) src(%dma_wait3A_308 : memref<8x128xf32, #tpu.memory_space<vmem>>) dst(%dma_wait3A_305 : memref<8x128xf32, #tpu.memory_space<hbm>>)
      %scan3A_309 = arith.constant 0 : i32
      %scan3A_310 = arith.constant 32 : i32
      %scan3A_311 = arith.addi %scan3A_309, %scan3A_310 : i32
      %scan3A_312 = arith.constant 1 : i32
      scf.for %scan3A_652 = %scan3A_309 to %scan3A_311 step %scan3A_312  : i32 {
        %mul3A_653 = arith.constant 4 : i32
        %mul3A_654 = arith.muli %scan3A_652, %mul3A_653 : i32
        %add3A_655 = arith.constant 0 : i32
        %add3A_656 = arith.addi %mul3A_654, %add3A_655 : i32
        %broadcast_in_dim3A = vector.broadcast %add3A_656 : i32 to vector<16xi32>
        %add3A_657 = arith.addi %broadcast_in_dim3A, %iota3A : vector<16xi32>
        %get3A = arith.index_cast %add3A_656 : i32 to index
        %get3A_658 = arith.constant 0 : index
        %get3A_659 = tpu.vector_load %arg7[%get3A, %get3A_658] {strides = array<i32>} : memref<128x32xf32, #tpu.memory_space<vmem>>, vector<16xf32>,
        %mul3A_660 = arith.constant 5.65685415 : f32
        %mul3A_661 = vector.broadcast %mul3A_660 : f32 to vector<16xf32>
        %mul3A_662 = arith.mulf %get3A_659, %mul3A_661 : vector<16xf32>
        tpu.vector_store_idx %arg11[%iota3A, %add3A_657], %mul3A_662 : memref<32x256xf32, #tpu.memory_space<vmem>>[vector<16xi32>, vector<16xi32>], vector<16xf32>,
        %add3A_663 = arith.addi %broadcast_in_dim3A, %add3A_5 : vector<16xi32>
        %get3A_664 = arith.index_cast %add3A_656 : i32 to index
        %get3A_665 = arith.constant 16 : index
        %get3A_666 = tpu.vector_load %arg7[%get3A_664, %get3A_665] {strides = array<i32>} : memref<128x32xf32, #tpu.memory_space<vmem>>, vector<16xf32>,
        %mul3A_667 = arith.constant 5.65685415 : f32
        %mul3A_668 = vector.broadcast %mul3A_667 : f32 to vector<16xf32>
        %mul3A_669 = arith.mulf %get3A_666, %mul3A_668 : vector<16xf32>
        tpu.vector_store_idx %arg11[%add3A_5, %add3A_663], %mul3A_669 : memref<32x256xf32, #tpu.memory_space<vmem>>[vector<16xi32>, vector<16xi32>], vector<16xf32>,
        %mul3A_670 = arith.constant 4 : i32
        %mul3A_671 = arith.muli %scan3A_652, %mul3A_670 : i32
        %add3A_672 = arith.constant 1 : i32
        %add3A_673 = arith.addi %mul3A_671, %add3A_672 : i32
        %broadcast_in_dim3A_674 = vector.broadcast %add3A_673 : i32 to vector<16xi32>
        %add3A_675 = arith.addi %broadcast_in_dim3A_674, %iota3A : vector<16xi32>
        %get3A_676 = arith.index_cast %add3A_673 : i32 to index
        %get3A_677 = arith.constant 0 : index
        %get3A_678 = tpu.vector_load %arg7[%get3A_676, %get3A_677] {strides = array<i32>} : memref<128x32xf32, #tpu.memory_space<vmem>>, vector<16xf32>,
        %mul3A_679 = arith.constant 5.65685415 : f32
        %mul3A_680 = vector.broadcast %mul3A_679 : f32 to vector<16xf32>
        %mul3A_681 = arith.mulf %get3A_678, %mul3A_680 : vector<16xf32>
        tpu.vector_store_idx %arg11[%iota3A, %add3A_675], %mul3A_681 : memref<32x256xf32, #tpu.memory_space<vmem>>[vector<16xi32>, vector<16xi32>], vector<16xf32>,
        %add3A_682 = arith.addi %broadcast_in_dim3A_674, %add3A_5 : vector<16xi32>
        %get3A_683 = arith.index_cast %add3A_673 : i32 to index
        %get3A_684 = arith.constant 16 : index
        %get3A_685 = tpu.vector_load %arg7[%get3A_683, %get3A_684] {strides = array<i32>} : memref<128x32xf32, #tpu.memory_space<vmem>>, vector<16xf32>,
        %mul3A_686 = arith.constant 5.65685415 : f32
        %mul3A_687 = vector.broadcast %mul3A_686 : f32 to vector<16xf32>
        %mul3A_688 = arith.mulf %get3A_685, %mul3A_687 : vector<16xf32>
        tpu.vector_store_idx %arg11[%add3A_5, %add3A_682], %mul3A_688 : memref<32x256xf32, #tpu.memory_space<vmem>>[vector<16xi32>, vector<16xi32>], vector<16xf32>,
        %mul3A_689 = arith.constant 4 : i32
        %mul3A_690 = arith.muli %scan3A_652, %mul3A_689 : i32
        %add3A_691 = arith.constant 2 : i32
        %add3A_692 = arith.addi %mul3A_690, %add3A_691 : i32
        %broadcast_in_dim3A_693 = vector.broadcast %add3A_692 : i32 to vector<16xi32>
        %add3A_694 = arith.addi %broadcast_in_dim3A_693, %iota3A : vector<16xi32>
        %get3A_695 = arith.index_cast %add3A_692 : i32 to index
        %get3A_696 = arith.constant 0 : index
        %get3A_697 = tpu.vector_load %arg7[%get3A_695, %get3A_696] {strides = array<i32>} : memref<128x32xf32, #tpu.memory_space<vmem>>, vector<16xf32>,
        %mul3A_698 = arith.constant 5.65685415 : f32
        %mul3A_699 = vector.broadcast %mul3A_698 : f32 to vector<16xf32>
        %mul3A_700 = arith.mulf %get3A_697, %mul3A_699 : vector<16xf32>
        tpu.vector_store_idx %arg11[%iota3A, %add3A_694], %mul3A_700 : memref<32x256xf32, #tpu.memory_space<vmem>>[vector<16xi32>, vector<16xi32>], vector<16xf32>,
        %add3A_701 = arith.addi %broadcast_in_dim3A_693, %add3A_5 : vector<16xi32>
        %get3A_702 = arith.index_cast %add3A_692 : i32 to index
        %get3A_703 = arith.constant 16 : index
        %get3A_704 = tpu.vector_load %arg7[%get3A_702, %get3A_703] {strides = array<i32>} : memref<128x32xf32, #tpu.memory_space<vmem>>, vector<16xf32>,
        %mul3A_705 = arith.constant 5.65685415 : f32
        %mul3A_706 = vector.broadcast %mul3A_705 : f32 to vector<16xf32>
        %mul3A_707 = arith.mulf %get3A_704, %mul3A_706 : vector<16xf32>
        tpu.vector_store_idx %arg11[%add3A_5, %add3A_701], %mul3A_707 : memref<32x256xf32, #tpu.memory_space<vmem>>[vector<16xi32>, vector<16xi32>], vector<16xf32>,
        %mul3A_708 = arith.constant 4 : i32
        %mul3A_709 = arith.muli %scan3A_652, %mul3A_708 : i32
        %add3A_710 = arith.constant 3 : i32
        %add3A_711 = arith.addi %mul3A_709, %add3A_710 : i32
        %broadcast_in_dim3A_712 = vector.broadcast %add3A_711 : i32 to vector<16xi32>
        %add3A_713 = arith.addi %broadcast_in_dim3A_712, %iota3A : vector<16xi32>
        %get3A_714 = arith.index_cast %add3A_711 : i32 to index
        %get3A_715 = arith.constant 0 : index
        %get3A_716 = tpu.vector_load %arg7[%get3A_714, %get3A_715] {strides = array<i32>} : memref<128x32xf32, #tpu.memory_space<vmem>>, vector<16xf32>,
        %mul3A_717 = arith.constant 5.65685415 : f32
        %mul3A_718 = vector.broadcast %mul3A_717 : f32 to vector<16xf32>
        %mul3A_719 = arith.mulf %get3A_716, %mul3A_718 : vector<16xf32>
        tpu.vector_store_idx %arg11[%iota3A, %add3A_713], %mul3A_719 : memref<32x256xf32, #tpu.memory_space<vmem>>[vector<16xi32>, vector<16xi32>], vector<16xf32>,
        %add3A_720 = arith.addi %broadcast_in_dim3A_712, %add3A_5 : vector<16xi32>
        %get3A_721 = arith.index_cast %add3A_711 : i32 to index
        %get3A_722 = arith.constant 16 : index
        %get3A_723 = tpu.vector_load %arg7[%get3A_721, %get3A_722] {strides = array<i32>} : memref<128x32xf32, #tpu.memory_space<vmem>>, vector<16xf32>,
        %mul3A_724 = arith.constant 5.65685415 : f32
        %mul3A_725 = vector.broadcast %mul3A_724 : f32 to vector<16xf32>
        %mul3A_726 = arith.mulf %get3A_723, %mul3A_725 : vector<16xf32>
        tpu.vector_store_idx %arg11[%add3A_5, %add3A_720], %mul3A_726 : memref<32x256xf32, #tpu.memory_space<vmem>>[vector<16xi32>, vector<16xi32>], vector<16xf32>,
      }
      %scan3A_313 = arith.constant 32 : i32
      %scan3A_314 = arith.constant 0 : i32
      %scan3A_315 = arith.constant 32 : i32
      %scan3A_316 = arith.addi %scan3A_314, %scan3A_315 : i32
      %scan3A_317 = arith.constant 1 : i32
      scf.for %scan3A_652 = %scan3A_314 to %scan3A_316 step %scan3A_317  : i32 {
        %add3A_653 = arith.constant 0 : i32
        %add3A_654 = arith.addi %scan3A_652, %add3A_653 : i32
        %get3A = arith.index_cast %scan3A_652 : i32 to index
        %get3A_655 = arith.index_cast %add3A_654 : i32 to index
        %get3A_656 = tpu.vector_load %arg11[%get3A, %get3A_655] {strides = array<i32>} : memref<32x256xf32, #tpu.memory_space<vmem>>, vector<16xf32>,
        %swap3A = arith.index_cast %scan3A_652 : i32 to index
        %swap3A_657 = arith.constant 0 : index
        %swap3A_658 = tpu.vector_load %arg9[%swap3A, %swap3A_657] {strides = array<i32>} : memref<32x128xf32, #tpu.memory_space<vmem>>, vector<16xf32>,
        tpu.vector_store %arg9[%swap3A, %swap3A_657], %get3A_656 {strides = array<i32>} : memref<32x128xf32, #tpu.memory_space<vmem>>, vector<16xf32>,
        %add3A_659 = arith.constant 16 : i32
        %add3A_660 = arith.addi %scan3A_652, %add3A_659 : i32
        %get3A_661 = arith.index_cast %scan3A_652 : i32 to index
        %get3A_662 = arith.index_cast %add3A_660 : i32 to index
        %get3A_663 = tpu.vector_load %arg11[%get3A_661, %get3A_662] {strides = array<i32>} : memref<32x256xf32, #tpu.memory_space<vmem>>, vector<16xf32>,
        %swap3A_664 = arith.index_cast %scan3A_652 : i32 to index
        %swap3A_665 = arith.constant 16 : index
        %swap3A_666 = tpu.vector_load %arg9[%swap3A_664, %swap3A_665] {strides = array<i32>} : memref<32x128xf32, #tpu.memory_space<vmem>>, vector<16xf32>,
        tpu.vector_store %arg9[%swap3A_664, %swap3A_665], %get3A_663 {strides = array<i32>} : memref<32x128xf32, #tpu.memory_space<vmem>>, vector<16xf32>,
        %add3A_667 = arith.constant 32 : i32
        %add3A_668 = arith.addi %scan3A_652, %add3A_667 : i32
        %get3A_669 = arith.index_cast %scan3A_652 : i32 to index
        %get3A_670 = arith.index_cast %add3A_668 : i32 to index
        %get3A_671 = tpu.vector_load %arg11[%get3A_669, %get3A_670] {strides = array<i32>} : memref<32x256xf32, #tpu.memory_space<vmem>>, vector<16xf32>,
        %swap3A_672 = arith.index_cast %scan3A_652 : i32 to index
        %swap3A_673 = arith.constant 32 : index
        %swap3A_674 = tpu.vector_load %arg9[%swap3A_672, %swap3A_673] {strides = array<i32>} : memref<32x128xf32, #tpu.memory_space<vmem>>, vector<16xf32>,
        tpu.vector_store %arg9[%swap3A_672, %swap3A_673], %get3A_671 {strides = array<i32>} : memref<32x128xf32, #tpu.memory_space<vmem>>, vector<16xf32>,
        %add3A_675 = arith.constant 48 : i32
        %add3A_676 = arith.addi %scan3A_652, %add3A_675 : i32
        %get3A_677 = arith.index_cast %scan3A_652 : i32 to index
        %get3A_678 = arith.index_cast %add3A_676 : i32 to index
        %get3A_679 = tpu.vector_load %arg11[%get3A_677, %get3A_678] {strides = array<i32>} : memref<32x256xf32, #tpu.memory_space<vmem>>, vector<16xf32>,
        %swap3A_680 = arith.index_cast %scan3A_652 : i32 to index
        %swap3A_681 = arith.constant 48 : index
        %swap3A_682 = tpu.vector_load %arg9[%swap3A_680, %swap3A_681] {strides = array<i32>} : memref<32x128xf32, #tpu.memory_space<vmem>>, vector<16xf32>,
        tpu.vector_store %arg9[%swap3A_680, %swap3A_681], %get3A_679 {strides = array<i32>} : memref<32x128xf32, #tpu.memory_space<vmem>>, vector<16xf32>,
        %add3A_683 = arith.constant 64 : i32
        %add3A_684 = arith.addi %scan3A_652, %add3A_683 : i32
        %get3A_685 = arith.index_cast %scan3A_652 : i32 to index
        %get3A_686 = arith.index_cast %add3A_684 : i32 to index
        %get3A_687 = tpu.vector_load %arg11[%get3A_685, %get3A_686] {strides = array<i32>} : memref<32x256xf32, #tpu.memory_space<vmem>>, vector<16xf32>,
        %swap3A_688 = arith.index_cast %scan3A_652 : i32 to index
        %swap3A_689 = arith.constant 64 : index
        %swap3A_690 = tpu.vector_load %arg9[%swap3A_688, %swap3A_689] {strides = array<i32>} : memref<32x128xf32, #tpu.memory_space<vmem>>, vector<16xf32>,
        tpu.vector_store %arg9[%swap3A_688, %swap3A_689], %get3A_687 {strides = array<i32>} : memref<32x128xf32, #tpu.memory_space<vmem>>, vector<16xf32>,
        %add3A_691 = arith.constant 80 : i32
        %add3A_692 = arith.addi %scan3A_652, %add3A_691 : i32
        %get3A_693 = arith.index_cast %scan3A_652 : i32 to index
        %get3A_694 = arith.index_cast %add3A_692 : i32 to index
        %get3A_695 = tpu.vector_load %arg11[%get3A_693, %get3A_694] {strides = array<i32>} : memref<32x256xf32, #tpu.memory_space<vmem>>, vector<16xf32>,
        %swap3A_696 = arith.index_cast %scan3A_652 : i32 to index
        %swap3A_697 = arith.constant 80 : index
        %swap3A_698 = tpu.vector_load %arg9[%swap3A_696, %swap3A_697] {strides = array<i32>} : memref<32x128xf32, #tpu.memory_space<vmem>>, vector<16xf32>,
        tpu.vector_store %arg9[%swap3A_696, %swap3A_697], %get3A_695 {strides = array<i32>} : memref<32x128xf32, #tpu.memory_space<vmem>>, vector<16xf32>,
        %add3A_699 = arith.constant 96 : i32
        %add3A_700 = arith.addi %scan3A_652, %add3A_699 : i32
        %get3A_701 = arith.index_cast %scan3A_652 : i32 to index
        %get3A_702 = arith.index_cast %add3A_700 : i32 to index
        %get3A_703 = tpu.vector_load %arg11[%get3A_701, %get3A_702] {strides = array<i32>} : memref<32x256xf32, #tpu.memory_space<vmem>>, vector<16xf32>,
        %swap3A_704 = arith.index_cast %scan3A_652 : i32 to index
        %swap3A_705 = arith.constant 96 : index
        %swap3A_706 = tpu.vector_load %arg9[%swap3A_704, %swap3A_705] {strides = array<i32>} : memref<32x128xf32, #tpu.memory_space<vmem>>, vector<16xf32>,
        tpu.vector_store %arg9[%swap3A_704, %swap3A_705], %get3A_703 {strides = array<i32>} : memref<32x128xf32, #tpu.memory_space<vmem>>, vector<16xf32>,
        %add3A_707 = arith.constant 112 : i32
        %add3A_708 = arith.addi %scan3A_652, %add3A_707 : i32
        %get3A_709 = arith.index_cast %scan3A_652 : i32 to index
        %get3A_710 = arith.index_cast %add3A_708 : i32 to index
        %get3A_711 = tpu.vector_load %arg11[%get3A_709, %get3A_710] {strides = array<i32>} : memref<32x256xf32, #tpu.memory_space<vmem>>, vector<16xf32>,
        %swap3A_712 = arith.index_cast %scan3A_652 : i32 to index
        %swap3A_713 = arith.constant 112 : index
        %swap3A_714 = tpu.vector_load %arg9[%swap3A_712, %swap3A_713] {strides = array<i32>} : memref<32x128xf32, #tpu.memory_space<vmem>>, vector<16xf32>,
        tpu.vector_store %arg9[%swap3A_712, %swap3A_713], %get3A_711 {strides = array<i32>} : memref<32x128xf32, #tpu.memory_space<vmem>>, vector<16xf32>,
      }
      %scan3A_318 = arith.constant 32 : i32
      %add3A_319 = arith.constant 2 : i32
      %add3A_320 = arith.addi %mul3A_2, %add3A_319 : i32
      %dma_start3A_321 = arith.constant 0 : i32
      %dma_start3A_322 = arith.constant 0 : i32
      %dma_start3A_323 = arith.constant 0 : i32
      %dma_start3A_324 = tpu.memref_slice %arg9[%dma_start3A_322, %dma_start3A_323] : memref<32x128xf32, #tpu.memory_space<vmem>> -> memref<8x128xf32, #tpu.memory_space<vmem>>
      %dma_start3A_325 = arith.constant 0 : i32
      %dma_start3A_326 = arith.constant 0 : i32
      %dma_start3A_327 = tpu.memref_slice %arg4[%scan3A_10, %dma_start3A_321, %add3A_320, %dma_start3A_325, %dma_start3A_326] : memref<50x4x128x8x128xf32, #tpu.memory_space<hbm>> -> memref<1x1x1x8x128xf32, #tpu.memory_space<hbm>>
      %dma_start3A_328 = tpu.memref_squeeze %dma_start3A_327 : memref<1x1x1x8x128xf32, #tpu.memory_space<hbm>> -> memref<8x128xf32, #tpu.memory_space<hbm>>
      %dma_start3A_329 = arith.constant 0 : i32
      %dma_start3A_330 = arith.constant 0 : i32
      %dma_start3A_331 = tpu.memref_slice %arg4[%scan3A_10, %dma_start3A_321, %add3A_320, %dma_start3A_329, %dma_start3A_330] : memref<50x4x128x8x128xf32, #tpu.memory_space<hbm>> -> memref<1x1x1x8x128xf32, #tpu.memory_space<hbm>>
      %dma_start3A_332 = tpu.memref_squeeze %dma_start3A_331 : memref<1x1x1x8x128xf32, #tpu.memory_space<hbm>> -> memref<8x128xf32, #tpu.memory_space<hbm>>
      %dma_start3A_333 = arith.constant 0 : i32
      %dma_start3A_334 = arith.constant 0 : i32
      %dma_start3A_335 = tpu.memref_slice %arg9[%dma_start3A_333, %dma_start3A_334] : memref<32x128xf32, #tpu.memory_space<vmem>> -> memref<8x128xf32, #tpu.memory_space<vmem>>
      tpu.enqueue_dma source(%dma_start3A_335 : memref<8x128xf32, #tpu.memory_space<vmem>>) target(%dma_start3A_332 : memref<8x128xf32, #tpu.memory_space<hbm>>) target_semaphore(%arg14 : memref<!tpu.dma_semaphore, #tpu.memory_space<semaphore_mem>>)
      %add3A_336 = arith.constant 2 : i32
      %add3A_337 = arith.addi %mul3A_2, %add3A_336 : i32
      %dma_start3A_338 = arith.constant 1 : i32
      %dma_start3A_339 = arith.constant 8 : i32
      %dma_start3A_340 = arith.constant 0 : i32
      %dma_start3A_341 = tpu.memref_slice %arg9[%dma_start3A_339, %dma_start3A_340] : memref<32x128xf32, #tpu.memory_space<vmem>> -> memref<8x128xf32, #tpu.memory_space<vmem>>
      %dma_start3A_342 = arith.constant 0 : i32
      %dma_start3A_343 = arith.constant 0 : i32
      %dma_start3A_344 = tpu.memref_slice %arg4[%scan3A_10, %dma_start3A_338, %add3A_337, %dma_start3A_342, %dma_start3A_343] : memref<50x4x128x8x128xf32, #tpu.memory_space<hbm>> -> memref<1x1x1x8x128xf32, #tpu.memory_space<hbm>>
      %dma_start3A_345 = tpu.memref_squeeze %dma_start3A_344 : memref<1x1x1x8x128xf32, #tpu.memory_space<hbm>> -> memref<8x128xf32, #tpu.memory_space<hbm>>
      %dma_start3A_346 = arith.constant 0 : i32
      %dma_start3A_347 = arith.constant 0 : i32
      %dma_start3A_348 = tpu.memref_slice %arg4[%scan3A_10, %dma_start3A_338, %add3A_337, %dma_start3A_346, %dma_start3A_347] : memref<50x4x128x8x128xf32, #tpu.memory_space<hbm>> -> memref<1x1x1x8x128xf32, #tpu.memory_space<hbm>>
      %dma_start3A_349 = tpu.memref_squeeze %dma_start3A_348 : memref<1x1x1x8x128xf32, #tpu.memory_space<hbm>> -> memref<8x128xf32, #tpu.memory_space<hbm>>
      %dma_start3A_350 = arith.constant 8 : i32
      %dma_start3A_351 = arith.constant 0 : i32
      %dma_start3A_352 = tpu.memref_slice %arg9[%dma_start3A_350, %dma_start3A_351] : memref<32x128xf32, #tpu.memory_space<vmem>> -> memref<8x128xf32, #tpu.memory_space<vmem>>
      tpu.enqueue_dma source(%dma_start3A_352 : memref<8x128xf32, #tpu.memory_space<vmem>>) target(%dma_start3A_349 : memref<8x128xf32, #tpu.memory_space<hbm>>) target_semaphore(%arg14 : memref<!tpu.dma_semaphore, #tpu.memory_space<semaphore_mem>>)
      %add3A_353 = arith.constant 2 : i32
      %add3A_354 = arith.addi %mul3A_2, %add3A_353 : i32
      %dma_start3A_355 = arith.constant 2 : i32
      %dma_start3A_356 = arith.constant 16 : i32
      %dma_start3A_357 = arith.constant 0 : i32
      %dma_start3A_358 = tpu.memref_slice %arg9[%dma_start3A_356, %dma_start3A_357] : memref<32x128xf32, #tpu.memory_space<vmem>> -> memref<8x128xf32, #tpu.memory_space<vmem>>
      %dma_start3A_359 = arith.constant 0 : i32
      %dma_start3A_360 = arith.constant 0 : i32
      %dma_start3A_361 = tpu.memref_slice %arg4[%scan3A_10, %dma_start3A_355, %add3A_354, %dma_start3A_359, %dma_start3A_360] : memref<50x4x128x8x128xf32, #tpu.memory_space<hbm>> -> memref<1x1x1x8x128xf32, #tpu.memory_space<hbm>>
      %dma_start3A_362 = tpu.memref_squeeze %dma_start3A_361 : memref<1x1x1x8x128xf32, #tpu.memory_space<hbm>> -> memref<8x128xf32, #tpu.memory_space<hbm>>
      %dma_start3A_363 = arith.constant 0 : i32
      %dma_start3A_364 = arith.constant 0 : i32
      %dma_start3A_365 = tpu.memref_slice %arg4[%scan3A_10, %dma_start3A_355, %add3A_354, %dma_start3A_363, %dma_start3A_364] : memref<50x4x128x8x128xf32, #tpu.memory_space<hbm>> -> memref<1x1x1x8x128xf32, #tpu.memory_space<hbm>>
      %dma_start3A_366 = tpu.memref_squeeze %dma_start3A_365 : memref<1x1x1x8x128xf32, #tpu.memory_space<hbm>> -> memref<8x128xf32, #tpu.memory_space<hbm>>
      %dma_start3A_367 = arith.constant 16 : i32
      %dma_start3A_368 = arith.constant 0 : i32
      %dma_start3A_369 = tpu.memref_slice %arg9[%dma_start3A_367, %dma_start3A_368] : memref<32x128xf32, #tpu.memory_space<vmem>> -> memref<8x128xf32, #tpu.memory_space<vmem>>
      tpu.enqueue_dma source(%dma_start3A_369 : memref<8x128xf32, #tpu.memory_space<vmem>>) target(%dma_start3A_366 : memref<8x128xf32, #tpu.memory_space<hbm>>) target_semaphore(%arg14 : memref<!tpu.dma_semaphore, #tpu.memory_space<semaphore_mem>>)
      %add3A_370 = arith.constant 2 : i32
      %add3A_371 = arith.addi %mul3A_2, %add3A_370 : i32
      %dma_start3A_372 = arith.constant 3 : i32
      %dma_start3A_373 = arith.constant 24 : i32
      %dma_start3A_374 = arith.constant 0 : i32
      %dma_start3A_375 = tpu.memref_slice %arg9[%dma_start3A_373, %dma_start3A_374] : memref<32x128xf32, #tpu.memory_space<vmem>> -> memref<8x128xf32, #tpu.memory_space<vmem>>
      %dma_start3A_376 = arith.constant 0 : i32
      %dma_start3A_377 = arith.constant 0 : i32
      %dma_start3A_378 = tpu.memref_slice %arg4[%scan3A_10, %dma_start3A_372, %add3A_371, %dma_start3A_376, %dma_start3A_377] : memref<50x4x128x8x128xf32, #tpu.memory_space<hbm>> -> memref<1x1x1x8x128xf32, #tpu.memory_space<hbm>>
      %dma_start3A_379 = tpu.memref_squeeze %dma_start3A_378 : memref<1x1x1x8x128xf32, #tpu.memory_space<hbm>> -> memref<8x128xf32, #tpu.memory_space<hbm>>
      %dma_start3A_380 = arith.constant 0 : i32
      %dma_start3A_381 = arith.constant 0 : i32
      %dma_start3A_382 = tpu.memref_slice %arg4[%scan3A_10, %dma_start3A_372, %add3A_371, %dma_start3A_380, %dma_start3A_381] : memref<50x4x128x8x128xf32, #tpu.memory_space<hbm>> -> memref<1x1x1x8x128xf32, #tpu.memory_space<hbm>>
      %dma_start3A_383 = tpu.memref_squeeze %dma_start3A_382 : memref<1x1x1x8x128xf32, #tpu.memory_space<hbm>> -> memref<8x128xf32, #tpu.memory_space<hbm>>
      %dma_start3A_384 = arith.constant 24 : i32
      %dma_start3A_385 = arith.constant 0 : i32
      %dma_start3A_386 = tpu.memref_slice %arg9[%dma_start3A_384, %dma_start3A_385] : memref<32x128xf32, #tpu.memory_space<vmem>> -> memref<8x128xf32, #tpu.memory_space<vmem>>
      tpu.enqueue_dma source(%dma_start3A_386 : memref<8x128xf32, #tpu.memory_space<vmem>>) target(%dma_start3A_383 : memref<8x128xf32, #tpu.memory_space<hbm>>) target_semaphore(%arg14 : memref<!tpu.dma_semaphore, #tpu.memory_space<semaphore_mem>>)
      %dma_wait3A_387 = arith.constant 3 : i32
      %dma_wait3A_388 = arith.constant 0 : i32
      %dma_wait3A_389 = tpu.memref_slice %arg6[%dma_wait3A_387, %dma_wait3A_388] : memref<4x128xi32, #tpu.memory_space<vmem>> -> memref<1x128xi32, #tpu.memory_space<vmem>>
      %dma_wait3A_390 = tpu.memref_squeeze %dma_wait3A_389 : memref<1x128xi32, #tpu.memory_space<vmem>> -> memref<128xi32, #tpu.memory_space<vmem>>
      %dma_wait3A_391 = arith.constant 0 : i32
      %dma_wait3A_392 = arith.constant 0 : i32
      %dma_wait3A_393 = tpu.memref_slice %arg3[%dma_wait3A_391, %dma_wait3A_392] : memref<1000000x32xf32, #tpu.memory_space<hbm>> -> memref<1000000x32xf32, #tpu.memory_space<hbm>>
      tpu.wait_indirect_dma semaphore(%arg13 : memref<!tpu.dma_semaphore, #tpu.memory_space<semaphore_mem>>) src(%dma_wait3A_393 : memref<1000000x32xf32, #tpu.memory_space<hbm>>) dst(%arg8 : memref<128x32xf32, #tpu.memory_space<vmem>>)
      %dma_wait3A_394 = arith.constant 0 : i32
      %dma_wait3A_395 = arith.constant 0 : i32
      %dma_wait3A_396 = arith.constant 0 : i32
      %dma_wait3A_397 = tpu.memref_slice %arg10[%dma_wait3A_395, %dma_wait3A_396] : memref<32x128xf32, #tpu.memory_space<vmem>> -> memref<8x128xf32, #tpu.memory_space<vmem>>
      %dma_wait3A_398 = arith.constant 0 : i32
      %dma_wait3A_399 = arith.constant 0 : i32
      %dma_wait3A_400 = tpu.memref_slice %arg4[%scan3A_10, %dma_wait3A_394, %add3A_175, %dma_wait3A_398, %dma_wait3A_399] : memref<50x4x128x8x128xf32, #tpu.memory_space<hbm>> -> memref<1x1x1x8x128xf32, #tpu.memory_space<hbm>>
      %dma_wait3A_401 = tpu.memref_squeeze %dma_wait3A_400 : memref<1x1x1x8x128xf32, #tpu.memory_space<hbm>> -> memref<8x128xf32, #tpu.memory_space<hbm>>
      %dma_wait3A_402 = arith.constant 0 : i32
      %dma_wait3A_403 = arith.constant 0 : i32
      %dma_wait3A_404 = tpu.memref_slice %arg4[%scan3A_10, %dma_wait3A_394, %add3A_175, %dma_wait3A_402, %dma_wait3A_403] : memref<50x4x128x8x128xf32, #tpu.memory_space<hbm>> -> memref<1x1x1x8x128xf32, #tpu.memory_space<hbm>>
      %dma_wait3A_405 = tpu.memref_squeeze %dma_wait3A_404 : memref<1x1x1x8x128xf32, #tpu.memory_space<hbm>> -> memref<8x128xf32, #tpu.memory_space<hbm>>
      %dma_wait3A_406 = arith.constant 0 : i32
      %dma_wait3A_407 = arith.constant 0 : i32
      %dma_wait3A_408 = tpu.memref_slice %arg10[%dma_wait3A_406, %dma_wait3A_407] : memref<32x128xf32, #tpu.memory_space<vmem>> -> memref<8x128xf32, #tpu.memory_space<vmem>>
      tpu.wait_dma2 semaphore(%arg15 : memref<!tpu.dma_semaphore, #tpu.memory_space<semaphore_mem>>) src(%dma_wait3A_408 : memref<8x128xf32, #tpu.memory_space<vmem>>) dst(%dma_wait3A_405 : memref<8x128xf32, #tpu.memory_space<hbm>>)
      %dma_wait3A_409 = arith.constant 1 : i32
      %dma_wait3A_410 = arith.constant 8 : i32
      %dma_wait3A_411 = arith.constant 0 : i32
      %dma_wait3A_412 = tpu.memref_slice %arg10[%dma_wait3A_410, %dma_wait3A_411] : memref<32x128xf32, #tpu.memory_space<vmem>> -> memref<8x128xf32, #tpu.memory_space<vmem>>
      %dma_wait3A_413 = arith.constant 0 : i32
      %dma_wait3A_414 = arith.constant 0 : i32
      %dma_wait3A_415 = tpu.memref_slice %arg4[%scan3A_10, %dma_wait3A_409, %add3A_192, %dma_wait3A_413, %dma_wait3A_414] : memref<50x4x128x8x128xf32, #tpu.memory_space<hbm>> -> memref<1x1x1x8x128xf32, #tpu.memory_space<hbm>>
      %dma_wait3A_416 = tpu.memref_squeeze %dma_wait3A_415 : memref<1x1x1x8x128xf32, #tpu.memory_space<hbm>> -> memref<8x128xf32, #tpu.memory_space<hbm>>
      %dma_wait3A_417 = arith.constant 0 : i32
      %dma_wait3A_418 = arith.constant 0 : i32
      %dma_wait3A_419 = tpu.memref_slice %arg4[%scan3A_10, %dma_wait3A_409, %add3A_192, %dma_wait3A_417, %dma_wait3A_418] : memref<50x4x128x8x128xf32, #tpu.memory_space<hbm>> -> memref<1x1x1x8x128xf32, #tpu.memory_space<hbm>>
      %dma_wait3A_420 = tpu.memref_squeeze %dma_wait3A_419 : memref<1x1x1x8x128xf32, #tpu.memory_space<hbm>> -> memref<8x128xf32, #tpu.memory_space<hbm>>
      %dma_wait3A_421 = arith.constant 8 : i32
      %dma_wait3A_422 = arith.constant 0 : i32
      %dma_wait3A_423 = tpu.memref_slice %arg10[%dma_wait3A_421, %dma_wait3A_422] : memref<32x128xf32, #tpu.memory_space<vmem>> -> memref<8x128xf32, #tpu.memory_space<vmem>>
      tpu.wait_dma2 semaphore(%arg15 : memref<!tpu.dma_semaphore, #tpu.memory_space<semaphore_mem>>) src(%dma_wait3A_423 : memref<8x128xf32, #tpu.memory_space<vmem>>) dst(%dma_wait3A_420 : memref<8x128xf32, #tpu.memory_space<hbm>>)
      %dma_wait3A_424 = arith.constant 2 : i32
      %dma_wait3A_425 = arith.constant 16 : i32
      %dma_wait3A_426 = arith.constant 0 : i32
      %dma_wait3A_427 = tpu.memref_slice %arg10[%dma_wait3A_425, %dma_wait3A_426] : memref<32x128xf32, #tpu.memory_space<vmem>> -> memref<8x128xf32, #tpu.memory_space<vmem>>
      %dma_wait3A_428 = arith.constant 0 : i32
      %dma_wait3A_429 = arith.constant 0 : i32
      %dma_wait3A_430 = tpu.memref_slice %arg4[%scan3A_10, %dma_wait3A_424, %add3A_209, %dma_wait3A_428, %dma_wait3A_429] : memref<50x4x128x8x128xf32, #tpu.memory_space<hbm>> -> memref<1x1x1x8x128xf32, #tpu.memory_space<hbm>>
      %dma_wait3A_431 = tpu.memref_squeeze %dma_wait3A_430 : memref<1x1x1x8x128xf32, #tpu.memory_space<hbm>> -> memref<8x128xf32, #tpu.memory_space<hbm>>
      %dma_wait3A_432 = arith.constant 0 : i32
      %dma_wait3A_433 = arith.constant 0 : i32
      %dma_wait3A_434 = tpu.memref_slice %arg4[%scan3A_10, %dma_wait3A_424, %add3A_209, %dma_wait3A_432, %dma_wait3A_433] : memref<50x4x128x8x128xf32, #tpu.memory_space<hbm>> -> memref<1x1x1x8x128xf32, #tpu.memory_space<hbm>>
      %dma_wait3A_435 = tpu.memref_squeeze %dma_wait3A_434 : memref<1x1x1x8x128xf32, #tpu.memory_space<hbm>> -> memref<8x128xf32, #tpu.memory_space<hbm>>
      %dma_wait3A_436 = arith.constant 16 : i32
      %dma_wait3A_437 = arith.constant 0 : i32
      %dma_wait3A_438 = tpu.memref_slice %arg10[%dma_wait3A_436, %dma_wait3A_437] : memref<32x128xf32, #tpu.memory_space<vmem>> -> memref<8x128xf32, #tpu.memory_space<vmem>>
      tpu.wait_dma2 semaphore(%arg15 : memref<!tpu.dma_semaphore, #tpu.memory_space<semaphore_mem>>) src(%dma_wait3A_438 : memref<8x128xf32, #tpu.memory_space<vmem>>) dst(%dma_wait3A_435 : memref<8x128xf32, #tpu.memory_space<hbm>>)
      %dma_wait3A_439 = arith.constant 3 : i32
      %dma_wait3A_440 = arith.constant 24 : i32
      %dma_wait3A_441 = arith.constant 0 : i32
      %dma_wait3A_442 = tpu.memref_slice %arg10[%dma_wait3A_440, %dma_wait3A_441] : memref<32x128xf32, #tpu.memory_space<vmem>> -> memref<8x128xf32, #tpu.memory_space<vmem>>
      %dma_wait3A_443 = arith.constant 0 : i32
      %dma_wait3A_444 = arith.constant 0 : i32
      %dma_wait3A_445 = tpu.memref_slice %arg4[%scan3A_10, %dma_wait3A_439, %add3A_226, %dma_wait3A_443, %dma_wait3A_444] : memref<50x4x128x8x128xf32, #tpu.memory_space<hbm>> -> memref<1x1x1x8x128xf32, #tpu.memory_space<hbm>>
      %dma_wait3A_446 = tpu.memref_squeeze %dma_wait3A_445 : memref<1x1x1x8x128xf32, #tpu.memory_space<hbm>> -> memref<8x128xf32, #tpu.memory_space<hbm>>
      %dma_wait3A_447 = arith.constant 0 : i32
      %dma_wait3A_448 = arith.constant 0 : i32
      %dma_wait3A_449 = tpu.memref_slice %arg4[%scan3A_10, %dma_wait3A_439, %add3A_226, %dma_wait3A_447, %dma_wait3A_448] : memref<50x4x128x8x128xf32, #tpu.memory_space<hbm>> -> memref<1x1x1x8x128xf32, #tpu.memory_space<hbm>>
      %dma_wait3A_450 = tpu.memref_squeeze %dma_wait3A_449 : memref<1x1x1x8x128xf32, #tpu.memory_space<hbm>> -> memref<8x128xf32, #tpu.memory_space<hbm>>
      %dma_wait3A_451 = arith.constant 24 : i32
      %dma_wait3A_452 = arith.constant 0 : i32
      %dma_wait3A_453 = tpu.memref_slice %arg10[%dma_wait3A_451, %dma_wait3A_452] : memref<32x128xf32, #tpu.memory_space<vmem>> -> memref<8x128xf32, #tpu.memory_space<vmem>>
      tpu.wait_dma2 semaphore(%arg15 : memref<!tpu.dma_semaphore, #tpu.memory_space<semaphore_mem>>) src(%dma_wait3A_453 : memref<8x128xf32, #tpu.memory_space<vmem>>) dst(%dma_wait3A_450 : memref<8x128xf32, #tpu.memory_space<hbm>>)
      %scan3A_454 = arith.constant 0 : i32
      %scan3A_455 = arith.constant 32 : i32
      %scan3A_456 = arith.addi %scan3A_454, %scan3A_455 : i32
      %scan3A_457 = arith.constant 1 : i32
      scf.for %scan3A_652 = %scan3A_454 to %scan3A_456 step %scan3A_457  : i32 {
        %mul3A_653 = arith.constant 4 : i32
        %mul3A_654 = arith.muli %scan3A_652, %mul3A_653 : i32
        %add3A_655 = arith.constant 0 : i32
        %add3A_656 = arith.addi %mul3A_654, %add3A_655 : i32
        %broadcast_in_dim3A = vector.broadcast %add3A_656 : i32 to vector<16xi32>
        %add3A_657 = arith.addi %broadcast_in_dim3A, %iota3A : vector<16xi32>
        %get3A = arith.index_cast %add3A_656 : i32 to index
        %get3A_658 = arith.constant 0 : index
        %get3A_659 = tpu.vector_load %arg8[%get3A, %get3A_658] {strides = array<i32>} : memref<128x32xf32, #tpu.memory_space<vmem>>, vector<16xf32>,
        %mul3A_660 = arith.constant 5.65685415 : f32
        %mul3A_661 = vector.broadcast %mul3A_660 : f32 to vector<16xf32>
        %mul3A_662 = arith.mulf %get3A_659, %mul3A_661 : vector<16xf32>
        tpu.vector_store_idx %arg11[%iota3A, %add3A_657], %mul3A_662 : memref<32x256xf32, #tpu.memory_space<vmem>>[vector<16xi32>, vector<16xi32>], vector<16xf32>,
        %add3A_663 = arith.addi %broadcast_in_dim3A, %add3A_5 : vector<16xi32>
        %get3A_664 = arith.index_cast %add3A_656 : i32 to index
        %get3A_665 = arith.constant 16 : index
        %get3A_666 = tpu.vector_load %arg8[%get3A_664, %get3A_665] {strides = array<i32>} : memref<128x32xf32, #tpu.memory_space<vmem>>, vector<16xf32>,
        %mul3A_667 = arith.constant 5.65685415 : f32
        %mul3A_668 = vector.broadcast %mul3A_667 : f32 to vector<16xf32>
        %mul3A_669 = arith.mulf %get3A_666, %mul3A_668 : vector<16xf32>
        tpu.vector_store_idx %arg11[%add3A_5, %add3A_663], %mul3A_669 : memref<32x256xf32, #tpu.memory_space<vmem>>[vector<16xi32>, vector<16xi32>], vector<16xf32>,
        %mul3A_670 = arith.constant 4 : i32
        %mul3A_671 = arith.muli %scan3A_652, %mul3A_670 : i32
        %add3A_672 = arith.constant 1 : i32
        %add3A_673 = arith.addi %mul3A_671, %add3A_672 : i32
        %broadcast_in_dim3A_674 = vector.broadcast %add3A_673 : i32 to vector<16xi32>
        %add3A_675 = arith.addi %broadcast_in_dim3A_674, %iota3A : vector<16xi32>
        %get3A_676 = arith.index_cast %add3A_673 : i32 to index
        %get3A_677 = arith.constant 0 : index
        %get3A_678 = tpu.vector_load %arg8[%get3A_676, %get3A_677] {strides = array<i32>} : memref<128x32xf32, #tpu.memory_space<vmem>>, vector<16xf32>,
        %mul3A_679 = arith.constant 5.65685415 : f32
        %mul3A_680 = vector.broadcast %mul3A_679 : f32 to vector<16xf32>
        %mul3A_681 = arith.mulf %get3A_678, %mul3A_680 : vector<16xf32>
        tpu.vector_store_idx %arg11[%iota3A, %add3A_675], %mul3A_681 : memref<32x256xf32, #tpu.memory_space<vmem>>[vector<16xi32>, vector<16xi32>], vector<16xf32>,
        %add3A_682 = arith.addi %broadcast_in_dim3A_674, %add3A_5 : vector<16xi32>
        %get3A_683 = arith.index_cast %add3A_673 : i32 to index
        %get3A_684 = arith.constant 16 : index
        %get3A_685 = tpu.vector_load %arg8[%get3A_683, %get3A_684] {strides = array<i32>} : memref<128x32xf32, #tpu.memory_space<vmem>>, vector<16xf32>,
        %mul3A_686 = arith.constant 5.65685415 : f32
        %mul3A_687 = vector.broadcast %mul3A_686 : f32 to vector<16xf32>
        %mul3A_688 = arith.mulf %get3A_685, %mul3A_687 : vector<16xf32>
        tpu.vector_store_idx %arg11[%add3A_5, %add3A_682], %mul3A_688 : memref<32x256xf32, #tpu.memory_space<vmem>>[vector<16xi32>, vector<16xi32>], vector<16xf32>,
        %mul3A_689 = arith.constant 4 : i32
        %mul3A_690 = arith.muli %scan3A_652, %mul3A_689 : i32
        %add3A_691 = arith.constant 2 : i32
        %add3A_692 = arith.addi %mul3A_690, %add3A_691 : i32
        %broadcast_in_dim3A_693 = vector.broadcast %add3A_692 : i32 to vector<16xi32>
        %add3A_694 = arith.addi %broadcast_in_dim3A_693, %iota3A : vector<16xi32>
        %get3A_695 = arith.index_cast %add3A_692 : i32 to index
        %get3A_696 = arith.constant 0 : index
        %get3A_697 = tpu.vector_load %arg8[%get3A_695, %get3A_696] {strides = array<i32>} : memref<128x32xf32, #tpu.memory_space<vmem>>, vector<16xf32>,
        %mul3A_698 = arith.constant 5.65685415 : f32
        %mul3A_699 = vector.broadcast %mul3A_698 : f32 to vector<16xf32>
        %mul3A_700 = arith.mulf %get3A_697, %mul3A_699 : vector<16xf32>
        tpu.vector_store_idx %arg11[%iota3A, %add3A_694], %mul3A_700 : memref<32x256xf32, #tpu.memory_space<vmem>>[vector<16xi32>, vector<16xi32>], vector<16xf32>,
        %add3A_701 = arith.addi %broadcast_in_dim3A_693, %add3A_5 : vector<16xi32>
        %get3A_702 = arith.index_cast %add3A_692 : i32 to index
        %get3A_703 = arith.constant 16 : index
        %get3A_704 = tpu.vector_load %arg8[%get3A_702, %get3A_703] {strides = array<i32>} : memref<128x32xf32, #tpu.memory_space<vmem>>, vector<16xf32>,
        %mul3A_705 = arith.constant 5.65685415 : f32
        %mul3A_706 = vector.broadcast %mul3A_705 : f32 to vector<16xf32>
        %mul3A_707 = arith.mulf %get3A_704, %mul3A_706 : vector<16xf32>
        tpu.vector_store_idx %arg11[%add3A_5, %add3A_701], %mul3A_707 : memref<32x256xf32, #tpu.memory_space<vmem>>[vector<16xi32>, vector<16xi32>], vector<16xf32>,
        %mul3A_708 = arith.constant 4 : i32
        %mul3A_709 = arith.muli %scan3A_652, %mul3A_708 : i32
        %add3A_710 = arith.constant 3 : i32
        %add3A_711 = arith.addi %mul3A_709, %add3A_710 : i32
        %broadcast_in_dim3A_712 = vector.broadcast %add3A_711 : i32 to vector<16xi32>
        %add3A_713 = arith.addi %broadcast_in_dim3A_712, %iota3A : vector<16xi32>
        %get3A_714 = arith.index_cast %add3A_711 : i32 to index
        %get3A_715 = arith.constant 0 : index
        %get3A_716 = tpu.vector_load %arg8[%get3A_714, %get3A_715] {strides = array<i32>} : memref<128x32xf32, #tpu.memory_space<vmem>>, vector<16xf32>,
        %mul3A_717 = arith.constant 5.65685415 : f32
        %mul3A_718 = vector.broadcast %mul3A_717 : f32 to vector<16xf32>
        %mul3A_719 = arith.mulf %get3A_716, %mul3A_718 : vector<16xf32>
        tpu.vector_store_idx %arg11[%iota3A, %add3A_713], %mul3A_719 : memref<32x256xf32, #tpu.memory_space<vmem>>[vector<16xi32>, vector<16xi32>], vector<16xf32>,
        %add3A_720 = arith.addi %broadcast_in_dim3A_712, %add3A_5 : vector<16xi32>
        %get3A_721 = arith.index_cast %add3A_711 : i32 to index
        %get3A_722 = arith.constant 16 : index
        %get3A_723 = tpu.vector_load %arg8[%get3A_721, %get3A_722] {strides = array<i32>} : memref<128x32xf32, #tpu.memory_space<vmem>>, vector<16xf32>,
        %mul3A_724 = arith.constant 5.65685415 : f32
        %mul3A_725 = vector.broadcast %mul3A_724 : f32 to vector<16xf32>
        %mul3A_726 = arith.mulf %get3A_723, %mul3A_725 : vector<16xf32>
        tpu.vector_store_idx %arg11[%add3A_5, %add3A_720], %mul3A_726 : memref<32x256xf32, #tpu.memory_space<vmem>>[vector<16xi32>, vector<16xi32>], vector<16xf32>,
      }
      %scan3A_458 = arith.constant 32 : i32
      %scan3A_459 = arith.constant 0 : i32
      %scan3A_460 = arith.constant 32 : i32
      %scan3A_461 = arith.addi %scan3A_459, %scan3A_460 : i32
      %scan3A_462 = arith.constant 1 : i32
      scf.for %scan3A_652 = %scan3A_459 to %scan3A_461 step %scan3A_462  : i32 {
        %add3A_653 = arith.constant 0 : i32
        %add3A_654 = arith.addi %scan3A_652, %add3A_653 : i32
        %get3A = arith.index_cast %scan3A_652 : i32 to index
        %get3A_655 = arith.index_cast %add3A_654 : i32 to index
        %get3A_656 = tpu.vector_load %arg11[%get3A, %get3A_655] {strides = array<i32>} : memref<32x256xf32, #tpu.memory_space<vmem>>, vector<16xf32>,
        %swap3A = arith.index_cast %scan3A_652 : i32 to index
        %swap3A_657 = arith.constant 0 : index
        %swap3A_658 = tpu.vector_load %arg10[%swap3A, %swap3A_657] {strides = array<i32>} : memref<32x128xf32, #tpu.memory_space<vmem>>, vector<16xf32>,
        tpu.vector_store %arg10[%swap3A, %swap3A_657], %get3A_656 {strides = array<i32>} : memref<32x128xf32, #tpu.memory_space<vmem>>, vector<16xf32>,
        %add3A_659 = arith.constant 16 : i32
        %add3A_660 = arith.addi %scan3A_652, %add3A_659 : i32
        %get3A_661 = arith.index_cast %scan3A_652 : i32 to index
        %get3A_662 = arith.index_cast %add3A_660 : i32 to index
        %get3A_663 = tpu.vector_load %arg11[%get3A_661, %get3A_662] {strides = array<i32>} : memref<32x256xf32, #tpu.memory_space<vmem>>, vector<16xf32>,
        %swap3A_664 = arith.index_cast %scan3A_652 : i32 to index
        %swap3A_665 = arith.constant 16 : index
        %swap3A_666 = tpu.vector_load %arg10[%swap3A_664, %swap3A_665] {strides = array<i32>} : memref<32x128xf32, #tpu.memory_space<vmem>>, vector<16xf32>,
        tpu.vector_store %arg10[%swap3A_664, %swap3A_665], %get3A_663 {strides = array<i32>} : memref<32x128xf32, #tpu.memory_space<vmem>>, vector<16xf32>,
        %add3A_667 = arith.constant 32 : i32
        %add3A_668 = arith.addi %scan3A_652, %add3A_667 : i32
        %get3A_669 = arith.index_cast %scan3A_652 : i32 to index
        %get3A_670 = arith.index_cast %add3A_668 : i32 to index
        %get3A_671 = tpu.vector_load %arg11[%get3A_669, %get3A_670] {strides = array<i32>} : memref<32x256xf32, #tpu.memory_space<vmem>>, vector<16xf32>,
        %swap3A_672 = arith.index_cast %scan3A_652 : i32 to index
        %swap3A_673 = arith.constant 32 : index
        %swap3A_674 = tpu.vector_load %arg10[%swap3A_672, %swap3A_673] {strides = array<i32>} : memref<32x128xf32, #tpu.memory_space<vmem>>, vector<16xf32>,
        tpu.vector_store %arg10[%swap3A_672, %swap3A_673], %get3A_671 {strides = array<i32>} : memref<32x128xf32, #tpu.memory_space<vmem>>, vector<16xf32>,
        %add3A_675 = arith.constant 48 : i32
        %add3A_676 = arith.addi %scan3A_652, %add3A_675 : i32
        %get3A_677 = arith.index_cast %scan3A_652 : i32 to index
        %get3A_678 = arith.index_cast %add3A_676 : i32 to index
        %get3A_679 = tpu.vector_load %arg11[%get3A_677, %get3A_678] {strides = array<i32>} : memref<32x256xf32, #tpu.memory_space<vmem>>, vector<16xf32>,
        %swap3A_680 = arith.index_cast %scan3A_652 : i32 to index
        %swap3A_681 = arith.constant 48 : index
        %swap3A_682 = tpu.vector_load %arg10[%swap3A_680, %swap3A_681] {strides = array<i32>} : memref<32x128xf32, #tpu.memory_space<vmem>>, vector<16xf32>,
        tpu.vector_store %arg10[%swap3A_680, %swap3A_681], %get3A_679 {strides = array<i32>} : memref<32x128xf32, #tpu.memory_space<vmem>>, vector<16xf32>,
        %add3A_683 = arith.constant 64 : i32
        %add3A_684 = arith.addi %scan3A_652, %add3A_683 : i32
        %get3A_685 = arith.index_cast %scan3A_652 : i32 to index
        %get3A_686 = arith.index_cast %add3A_684 : i32 to index
        %get3A_687 = tpu.vector_load %arg11[%get3A_685, %get3A_686] {strides = array<i32>} : memref<32x256xf32, #tpu.memory_space<vmem>>, vector<16xf32>,
        %swap3A_688 = arith.index_cast %scan3A_652 : i32 to index
        %swap3A_689 = arith.constant 64 : index
        %swap3A_690 = tpu.vector_load %arg10[%swap3A_688, %swap3A_689] {strides = array<i32>} : memref<32x128xf32, #tpu.memory_space<vmem>>, vector<16xf32>,
        tpu.vector_store %arg10[%swap3A_688, %swap3A_689], %get3A_687 {strides = array<i32>} : memref<32x128xf32, #tpu.memory_space<vmem>>, vector<16xf32>,
        %add3A_691 = arith.constant 80 : i32
        %add3A_692 = arith.addi %scan3A_652, %add3A_691 : i32
        %get3A_693 = arith.index_cast %scan3A_652 : i32 to index
        %get3A_694 = arith.index_cast %add3A_692 : i32 to index
        %get3A_695 = tpu.vector_load %arg11[%get3A_693, %get3A_694] {strides = array<i32>} : memref<32x256xf32, #tpu.memory_space<vmem>>, vector<16xf32>,
        %swap3A_696 = arith.index_cast %scan3A_652 : i32 to index
        %swap3A_697 = arith.constant 80 : index
        %swap3A_698 = tpu.vector_load %arg10[%swap3A_696, %swap3A_697] {strides = array<i32>} : memref<32x128xf32, #tpu.memory_space<vmem>>, vector<16xf32>,
        tpu.vector_store %arg10[%swap3A_696, %swap3A_697], %get3A_695 {strides = array<i32>} : memref<32x128xf32, #tpu.memory_space<vmem>>, vector<16xf32>,
        %add3A_699 = arith.constant 96 : i32
        %add3A_700 = arith.addi %scan3A_652, %add3A_699 : i32
        %get3A_701 = arith.index_cast %scan3A_652 : i32 to index
        %get3A_702 = arith.index_cast %add3A_700 : i32 to index
        %get3A_703 = tpu.vector_load %arg11[%get3A_701, %get3A_702] {strides = array<i32>} : memref<32x256xf32, #tpu.memory_space<vmem>>, vector<16xf32>,
        %swap3A_704 = arith.index_cast %scan3A_652 : i32 to index
        %swap3A_705 = arith.constant 96 : index
        %swap3A_706 = tpu.vector_load %arg10[%swap3A_704, %swap3A_705] {strides = array<i32>} : memref<32x128xf32, #tpu.memory_space<vmem>>, vector<16xf32>,
        tpu.vector_store %arg10[%swap3A_704, %swap3A_705], %get3A_703 {strides = array<i32>} : memref<32x128xf32, #tpu.memory_space<vmem>>, vector<16xf32>,
        %add3A_707 = arith.constant 112 : i32
        %add3A_708 = arith.addi %scan3A_652, %add3A_707 : i32
        %get3A_709 = arith.index_cast %scan3A_652 : i32 to index
        %get3A_710 = arith.index_cast %add3A_708 : i32 to index
        %get3A_711 = tpu.vector_load %arg11[%get3A_709, %get3A_710] {strides = array<i32>} : memref<32x256xf32, #tpu.memory_space<vmem>>, vector<16xf32>,
        %swap3A_712 = arith.index_cast %scan3A_652 : i32 to index
        %swap3A_713 = arith.constant 112 : index
        %swap3A_714 = tpu.vector_load %arg10[%swap3A_712, %swap3A_713] {strides = array<i32>} : memref<32x128xf32, #tpu.memory_space<vmem>>, vector<16xf32>,
        tpu.vector_store %arg10[%swap3A_712, %swap3A_713], %get3A_711 {strides = array<i32>} : memref<32x128xf32, #tpu.memory_space<vmem>>, vector<16xf32>,
      }
      %scan3A_463 = arith.constant 32 : i32
      %add3A_464 = arith.constant 3 : i32
      %add3A_465 = arith.addi %mul3A_2, %add3A_464 : i32
      %dma_start3A_466 = arith.constant 0 : i32
      %dma_start3A_467 = arith.constant 0 : i32
      %dma_start3A_468 = arith.constant 0 : i32
      %dma_start3A_469 = tpu.memref_slice %arg10[%dma_start3A_467, %dma_start3A_468] : memref<32x128xf32, #tpu.memory_space<vmem>> -> memref<8x128xf32, #tpu.memory_space<vmem>>
      %dma_start3A_470 = arith.constant 0 : i32
      %dma_start3A_471 = arith.constant 0 : i32
      %dma_start3A_472 = tpu.memref_slice %arg4[%scan3A_10, %dma_start3A_466, %add3A_465, %dma_start3A_470, %dma_start3A_471] : memref<50x4x128x8x128xf32, #tpu.memory_space<hbm>> -> memref<1x1x1x8x128xf32, #tpu.memory_space<hbm>>
      %dma_start3A_473 = tpu.memref_squeeze %dma_start3A_472 : memref<1x1x1x8x128xf32, #tpu.memory_space<hbm>> -> memref<8x128xf32, #tpu.memory_space<hbm>>
      %dma_start3A_474 = arith.constant 0 : i32
      %dma_start3A_475 = arith.constant 0 : i32
      %dma_start3A_476 = tpu.memref_slice %arg4[%scan3A_10, %dma_start3A_466, %add3A_465, %dma_start3A_474, %dma_start3A_475] : memref<50x4x128x8x128xf32, #tpu.memory_space<hbm>> -> memref<1x1x1x8x128xf32, #tpu.memory_space<hbm>>
      %dma_start3A_477 = tpu.memref_squeeze %dma_start3A_476 : memref<1x1x1x8x128xf32, #tpu.memory_space<hbm>> -> memref<8x128xf32, #tpu.memory_space<hbm>>
      %dma_start3A_478 = arith.constant 0 : i32
      %dma_start3A_479 = arith.constant 0 : i32
      %dma_start3A_480 = tpu.memref_slice %arg10[%dma_start3A_478, %dma_start3A_479] : memref<32x128xf32, #tpu.memory_space<vmem>> -> memref<8x128xf32, #tpu.memory_space<vmem>>
      tpu.enqueue_dma source(%dma_start3A_480 : memref<8x128xf32, #tpu.memory_space<vmem>>) target(%dma_start3A_477 : memref<8x128xf32, #tpu.memory_space<hbm>>) target_semaphore(%arg15 : memref<!tpu.dma_semaphore, #tpu.memory_space<semaphore_mem>>)
      %add3A_481 = arith.constant 3 : i32
      %add3A_482 = arith.addi %mul3A_2, %add3A_481 : i32
      %dma_start3A_483 = arith.constant 1 : i32
      %dma_start3A_484 = arith.constant 8 : i32
      %dma_start3A_485 = arith.constant 0 : i32
      %dma_start3A_486 = tpu.memref_slice %arg10[%dma_start3A_484, %dma_start3A_485] : memref<32x128xf32, #tpu.memory_space<vmem>> -> memref<8x128xf32, #tpu.memory_space<vmem>>
      %dma_start3A_487 = arith.constant 0 : i32
      %dma_start3A_488 = arith.constant 0 : i32
      %dma_start3A_489 = tpu.memref_slice %arg4[%scan3A_10, %dma_start3A_483, %add3A_482, %dma_start3A_487, %dma_start3A_488] : memref<50x4x128x8x128xf32, #tpu.memory_space<hbm>> -> memref<1x1x1x8x128xf32, #tpu.memory_space<hbm>>
      %dma_start3A_490 = tpu.memref_squeeze %dma_start3A_489 : memref<1x1x1x8x128xf32, #tpu.memory_space<hbm>> -> memref<8x128xf32, #tpu.memory_space<hbm>>
      %dma_start3A_491 = arith.constant 0 : i32
      %dma_start3A_492 = arith.constant 0 : i32
      %dma_start3A_493 = tpu.memref_slice %arg4[%scan3A_10, %dma_start3A_483, %add3A_482, %dma_start3A_491, %dma_start3A_492] : memref<50x4x128x8x128xf32, #tpu.memory_space<hbm>> -> memref<1x1x1x8x128xf32, #tpu.memory_space<hbm>>
      %dma_start3A_494 = tpu.memref_squeeze %dma_start3A_493 : memref<1x1x1x8x128xf32, #tpu.memory_space<hbm>> -> memref<8x128xf32, #tpu.memory_space<hbm>>
      %dma_start3A_495 = arith.constant 8 : i32
      %dma_start3A_496 = arith.constant 0 : i32
      %dma_start3A_497 = tpu.memref_slice %arg10[%dma_start3A_495, %dma_start3A_496] : memref<32x128xf32, #tpu.memory_space<vmem>> -> memref<8x128xf32, #tpu.memory_space<vmem>>
      tpu.enqueue_dma source(%dma_start3A_497 : memref<8x128xf32, #tpu.memory_space<vmem>>) target(%dma_start3A_494 : memref<8x128xf32, #tpu.memory_space<hbm>>) target_semaphore(%arg15 : memref<!tpu.dma_semaphore, #tpu.memory_space<semaphore_mem>>)
      %add3A_498 = arith.constant 3 : i32
      %add3A_499 = arith.addi %mul3A_2, %add3A_498 : i32
      %dma_start3A_500 = arith.constant 2 : i32
      %dma_start3A_501 = arith.constant 16 : i32
      %dma_start3A_502 = arith.constant 0 : i32
      %dma_start3A_503 = tpu.memref_slice %arg10[%dma_start3A_501, %dma_start3A_502] : memref<32x128xf32, #tpu.memory_space<vmem>> -> memref<8x128xf32, #tpu.memory_space<vmem>>
      %dma_start3A_504 = arith.constant 0 : i32
      %dma_start3A_505 = arith.constant 0 : i32
      %dma_start3A_506 = tpu.memref_slice %arg4[%scan3A_10, %dma_start3A_500, %add3A_499, %dma_start3A_504, %dma_start3A_505] : memref<50x4x128x8x128xf32, #tpu.memory_space<hbm>> -> memref<1x1x1x8x128xf32, #tpu.memory_space<hbm>>
      %dma_start3A_507 = tpu.memref_squeeze %dma_start3A_506 : memref<1x1x1x8x128xf32, #tpu.memory_space<hbm>> -> memref<8x128xf32, #tpu.memory_space<hbm>>
      %dma_start3A_508 = arith.constant 0 : i32
      %dma_start3A_509 = arith.constant 0 : i32
      %dma_start3A_510 = tpu.memref_slice %arg4[%scan3A_10, %dma_start3A_500, %add3A_499, %dma_start3A_508, %dma_start3A_509] : memref<50x4x128x8x128xf32, #tpu.memory_space<hbm>> -> memref<1x1x1x8x128xf32, #tpu.memory_space<hbm>>
      %dma_start3A_511 = tpu.memref_squeeze %dma_start3A_510 : memref<1x1x1x8x128xf32, #tpu.memory_space<hbm>> -> memref<8x128xf32, #tpu.memory_space<hbm>>
      %dma_start3A_512 = arith.constant 16 : i32
      %dma_start3A_513 = arith.constant 0 : i32
      %dma_start3A_514 = tpu.memref_slice %arg10[%dma_start3A_512, %dma_start3A_513] : memref<32x128xf32, #tpu.memory_space<vmem>> -> memref<8x128xf32, #tpu.memory_space<vmem>>
      tpu.enqueue_dma source(%dma_start3A_514 : memref<8x128xf32, #tpu.memory_space<vmem>>) target(%dma_start3A_511 : memref<8x128xf32, #tpu.memory_space<hbm>>) target_semaphore(%arg15 : memref<!tpu.dma_semaphore, #tpu.memory_space<semaphore_mem>>)
      %add3A_515 = arith.constant 3 : i32
      %add3A_516 = arith.addi %mul3A_2, %add3A_515 : i32
      %dma_start3A_517 = arith.constant 3 : i32
      %dma_start3A_518 = arith.constant 24 : i32
      %dma_start3A_519 = arith.constant 0 : i32
      %dma_start3A_520 = tpu.memref_slice %arg10[%dma_start3A_518, %dma_start3A_519] : memref<32x128xf32, #tpu.memory_space<vmem>> -> memref<8x128xf32, #tpu.memory_space<vmem>>
      %dma_start3A_521 = arith.constant 0 : i32
      %dma_start3A_522 = arith.constant 0 : i32
      %dma_start3A_523 = tpu.memref_slice %arg4[%scan3A_10, %dma_start3A_517, %add3A_516, %dma_start3A_521, %dma_start3A_522] : memref<50x4x128x8x128xf32, #tpu.memory_space<hbm>> -> memref<1x1x1x8x128xf32, #tpu.memory_space<hbm>>
      %dma_start3A_524 = tpu.memref_squeeze %dma_start3A_523 : memref<1x1x1x8x128xf32, #tpu.memory_space<hbm>> -> memref<8x128xf32, #tpu.memory_space<hbm>>
      %dma_start3A_525 = arith.constant 0 : i32
      %dma_start3A_526 = arith.constant 0 : i32
      %dma_start3A_527 = tpu.memref_slice %arg4[%scan3A_10, %dma_start3A_517, %add3A_516, %dma_start3A_525, %dma_start3A_526] : memref<50x4x128x8x128xf32, #tpu.memory_space<hbm>> -> memref<1x1x1x8x128xf32, #tpu.memory_space<hbm>>
      %dma_start3A_528 = tpu.memref_squeeze %dma_start3A_527 : memref<1x1x1x8x128xf32, #tpu.memory_space<hbm>> -> memref<8x128xf32, #tpu.memory_space<hbm>>
      %dma_start3A_529 = arith.constant 24 : i32
      %dma_start3A_530 = arith.constant 0 : i32
      %dma_start3A_531 = tpu.memref_slice %arg10[%dma_start3A_529, %dma_start3A_530] : memref<32x128xf32, #tpu.memory_space<vmem>> -> memref<8x128xf32, #tpu.memory_space<vmem>>
      tpu.enqueue_dma source(%dma_start3A_531 : memref<8x128xf32, #tpu.memory_space<vmem>>) target(%dma_start3A_528 : memref<8x128xf32, #tpu.memory_space<hbm>>) target_semaphore(%arg15 : memref<!tpu.dma_semaphore, #tpu.memory_space<semaphore_mem>>)
      %dma_wait3A_532 = arith.constant 0 : i32
      %dma_wait3A_533 = arith.constant 0 : i32
      %dma_wait3A_534 = arith.constant 0 : i32
      %dma_wait3A_535 = tpu.memref_slice %arg9[%dma_wait3A_533, %dma_wait3A_534] : memref<32x128xf32, #tpu.memory_space<vmem>> -> memref<8x128xf32, #tpu.memory_space<vmem>>
      %dma_wait3A_536 = arith.constant 0 : i32
      %dma_wait3A_537 = arith.constant 0 : i32
      %dma_wait3A_538 = tpu.memref_slice %arg4[%scan3A_10, %dma_wait3A_532, %add3A_320, %dma_wait3A_536, %dma_wait3A_537] : memref<50x4x128x8x128xf32, #tpu.memory_space<hbm>> -> memref<1x1x1x8x128xf32, #tpu.memory_space<hbm>>
      %dma_wait3A_539 = tpu.memref_squeeze %dma_wait3A_538 : memref<1x1x1x8x128xf32, #tpu.memory_space<hbm>> -> memref<8x128xf32, #tpu.memory_space<hbm>>
      %dma_wait3A_540 = arith.constant 0 : i32
      %dma_wait3A_541 = arith.constant 0 : i32
      %dma_wait3A_542 = tpu.memref_slice %arg4[%scan3A_10, %dma_wait3A_532, %add3A_320, %dma_wait3A_540, %dma_wait3A_541] : memref<50x4x128x8x128xf32, #tpu.memory_space<hbm>> -> memref<1x1x1x8x128xf32, #tpu.memory_space<hbm>>
      %dma_wait3A_543 = tpu.memref_squeeze %dma_wait3A_542 : memref<1x1x1x8x128xf32, #tpu.memory_space<hbm>> -> memref<8x128xf32, #tpu.memory_space<hbm>>
      %dma_wait3A_544 = arith.constant 0 : i32
      %dma_wait3A_545 = arith.constant 0 : i32
      %dma_wait3A_546 = tpu.memref_slice %arg9[%dma_wait3A_544, %dma_wait3A_545] : memref<32x128xf32, #tpu.memory_space<vmem>> -> memref<8x128xf32, #tpu.memory_space<vmem>>
      tpu.wait_dma2 semaphore(%arg14 : memref<!tpu.dma_semaphore, #tpu.memory_space<semaphore_mem>>) src(%dma_wait3A_546 : memref<8x128xf32, #tpu.memory_space<vmem>>) dst(%dma_wait3A_543 : memref<8x128xf32, #tpu.memory_space<hbm>>)
      %dma_wait3A_547 = arith.constant 1 : i32
      %dma_wait3A_548 = arith.constant 8 : i32
      %dma_wait3A_549 = arith.constant 0 : i32
      %dma_wait3A_550 = tpu.memref_slice %arg9[%dma_wait3A_548, %dma_wait3A_549] : memref<32x128xf32, #tpu.memory_space<vmem>> -> memref<8x128xf32, #tpu.memory_space<vmem>>
      %dma_wait3A_551 = arith.constant 0 : i32
      %dma_wait3A_552 = arith.constant 0 : i32
      %dma_wait3A_553 = tpu.memref_slice %arg4[%scan3A_10, %dma_wait3A_547, %add3A_337, %dma_wait3A_551, %dma_wait3A_552] : memref<50x4x128x8x128xf32, #tpu.memory_space<hbm>> -> memref<1x1x1x8x128xf32, #tpu.memory_space<hbm>>
      %dma_wait3A_554 = tpu.memref_squeeze %dma_wait3A_553 : memref<1x1x1x8x128xf32, #tpu.memory_space<hbm>> -> memref<8x128xf32, #tpu.memory_space<hbm>>
      %dma_wait3A_555 = arith.constant 0 : i32
      %dma_wait3A_556 = arith.constant 0 : i32
      %dma_wait3A_557 = tpu.memref_slice %arg4[%scan3A_10, %dma_wait3A_547, %add3A_337, %dma_wait3A_555, %dma_wait3A_556] : memref<50x4x128x8x128xf32, #tpu.memory_space<hbm>> -> memref<1x1x1x8x128xf32, #tpu.memory_space<hbm>>
      %dma_wait3A_558 = tpu.memref_squeeze %dma_wait3A_557 : memref<1x1x1x8x128xf32, #tpu.memory_space<hbm>> -> memref<8x128xf32, #tpu.memory_space<hbm>>
      %dma_wait3A_559 = arith.constant 8 : i32
      %dma_wait3A_560 = arith.constant 0 : i32
      %dma_wait3A_561 = tpu.memref_slice %arg9[%dma_wait3A_559, %dma_wait3A_560] : memref<32x128xf32, #tpu.memory_space<vmem>> -> memref<8x128xf32, #tpu.memory_space<vmem>>
      tpu.wait_dma2 semaphore(%arg14 : memref<!tpu.dma_semaphore, #tpu.memory_space<semaphore_mem>>) src(%dma_wait3A_561 : memref<8x128xf32, #tpu.memory_space<vmem>>) dst(%dma_wait3A_558 : memref<8x128xf32, #tpu.memory_space<hbm>>)
      %dma_wait3A_562 = arith.constant 2 : i32
      %dma_wait3A_563 = arith.constant 16 : i32
      %dma_wait3A_564 = arith.constant 0 : i32
      %dma_wait3A_565 = tpu.memref_slice %arg9[%dma_wait3A_563, %dma_wait3A_564] : memref<32x128xf32, #tpu.memory_space<vmem>> -> memref<8x128xf32, #tpu.memory_space<vmem>>
      %dma_wait3A_566 = arith.constant 0 : i32
      %dma_wait3A_567 = arith.constant 0 : i32
      %dma_wait3A_568 = tpu.memref_slice %arg4[%scan3A_10, %dma_wait3A_562, %add3A_354, %dma_wait3A_566, %dma_wait3A_567] : memref<50x4x128x8x128xf32, #tpu.memory_space<hbm>> -> memref<1x1x1x8x128xf32, #tpu.memory_space<hbm>>
      %dma_wait3A_569 = tpu.memref_squeeze %dma_wait3A_568 : memref<1x1x1x8x128xf32, #tpu.memory_space<hbm>> -> memref<8x128xf32, #tpu.memory_space<hbm>>
      %dma_wait3A_570 = arith.constant 0 : i32
      %dma_wait3A_571 = arith.constant 0 : i32
      %dma_wait3A_572 = tpu.memref_slice %arg4[%scan3A_10, %dma_wait3A_562, %add3A_354, %dma_wait3A_570, %dma_wait3A_571] : memref<50x4x128x8x128xf32, #tpu.memory_space<hbm>> -> memref<1x1x1x8x128xf32, #tpu.memory_space<hbm>>
      %dma_wait3A_573 = tpu.memref_squeeze %dma_wait3A_572 : memref<1x1x1x8x128xf32, #tpu.memory_space<hbm>> -> memref<8x128xf32, #tpu.memory_space<hbm>>
      %dma_wait3A_574 = arith.constant 16 : i32
      %dma_wait3A_575 = arith.constant 0 : i32
      %dma_wait3A_576 = tpu.memref_slice %arg9[%dma_wait3A_574, %dma_wait3A_575] : memref<32x128xf32, #tpu.memory_space<vmem>> -> memref<8x128xf32, #tpu.memory_space<vmem>>
      tpu.wait_dma2 semaphore(%arg14 : memref<!tpu.dma_semaphore, #tpu.memory_space<semaphore_mem>>) src(%dma_wait3A_576 : memref<8x128xf32, #tpu.memory_space<vmem>>) dst(%dma_wait3A_573 : memref<8x128xf32, #tpu.memory_space<hbm>>)
      %dma_wait3A_577 = arith.constant 3 : i32
      %dma_wait3A_578 = arith.constant 24 : i32
      %dma_wait3A_579 = arith.constant 0 : i32
      %dma_wait3A_580 = tpu.memref_slice %arg9[%dma_wait3A_578, %dma_wait3A_579] : memref<32x128xf32, #tpu.memory_space<vmem>> -> memref<8x128xf32, #tpu.memory_space<vmem>>
      %dma_wait3A_581 = arith.constant 0 : i32
      %dma_wait3A_582 = arith.constant 0 : i32
      %dma_wait3A_583 = tpu.memref_slice %arg4[%scan3A_10, %dma_wait3A_577, %add3A_371, %dma_wait3A_581, %dma_wait3A_582] : memref<50x4x128x8x128xf32, #tpu.memory_space<hbm>> -> memref<1x1x1x8x128xf32, #tpu.memory_space<hbm>>
      %dma_wait3A_584 = tpu.memref_squeeze %dma_wait3A_583 : memref<1x1x1x8x128xf32, #tpu.memory_space<hbm>> -> memref<8x128xf32, #tpu.memory_space<hbm>>
      %dma_wait3A_585 = arith.constant 0 : i32
      %dma_wait3A_586 = arith.constant 0 : i32
      %dma_wait3A_587 = tpu.memref_slice %arg4[%scan3A_10, %dma_wait3A_577, %add3A_371, %dma_wait3A_585, %dma_wait3A_586] : memref<50x4x128x8x128xf32, #tpu.memory_space<hbm>> -> memref<1x1x1x8x128xf32, #tpu.memory_space<hbm>>
      %dma_wait3A_588 = tpu.memref_squeeze %dma_wait3A_587 : memref<1x1x1x8x128xf32, #tpu.memory_space<hbm>> -> memref<8x128xf32, #tpu.memory_space<hbm>>
      %dma_wait3A_589 = arith.constant 24 : i32
      %dma_wait3A_590 = arith.constant 0 : i32
      %dma_wait3A_591 = tpu.memref_slice %arg9[%dma_wait3A_589, %dma_wait3A_590] : memref<32x128xf32, #tpu.memory_space<vmem>> -> memref<8x128xf32, #tpu.memory_space<vmem>>
      tpu.wait_dma2 semaphore(%arg14 : memref<!tpu.dma_semaphore, #tpu.memory_space<semaphore_mem>>) src(%dma_wait3A_591 : memref<8x128xf32, #tpu.memory_space<vmem>>) dst(%dma_wait3A_588 : memref<8x128xf32, #tpu.memory_space<hbm>>)
      %dma_wait3A_592 = arith.constant 0 : i32
      %dma_wait3A_593 = arith.constant 0 : i32
      %dma_wait3A_594 = arith.constant 0 : i32
      %dma_wait3A_595 = tpu.memref_slice %arg10[%dma_wait3A_593, %dma_wait3A_594] : memref<32x128xf32, #tpu.memory_space<vmem>> -> memref<8x128xf32, #tpu.memory_space<vmem>>
      %dma_wait3A_596 = arith.constant 0 : i32
      %dma_wait3A_597 = arith.constant 0 : i32
      %dma_wait3A_598 = tpu.memref_slice %arg4[%scan3A_10, %dma_wait3A_592, %add3A_465, %dma_wait3A_596, %dma_wait3A_597] : memref<50x4x128x8x128xf32, #tpu.memory_space<hbm>> -> memref<1x1x1x8x128xf32, #tpu.memory_space<hbm>>
      %dma_wait3A_599 = tpu.memref_squeeze %dma_wait3A_598 : memref<1x1x1x8x128xf32, #tpu.memory_space<hbm>> -> memref<8x128xf32, #tpu.memory_space<hbm>>
      %dma_wait3A_600 = arith.constant 0 : i32
      %dma_wait3A_601 = arith.constant 0 : i32
      %dma_wait3A_602 = tpu.memref_slice %arg4[%scan3A_10, %dma_wait3A_592, %add3A_465, %dma_wait3A_600, %dma_wait3A_601] : memref<50x4x128x8x128xf32, #tpu.memory_space<hbm>> -> memref<1x1x1x8x128xf32, #tpu.memory_space<hbm>>
      %dma_wait3A_603 = tpu.memref_squeeze %dma_wait3A_602 : memref<1x1x1x8x128xf32, #tpu.memory_space<hbm>> -> memref<8x128xf32, #tpu.memory_space<hbm>>
      %dma_wait3A_604 = arith.constant 0 : i32
      %dma_wait3A_605 = arith.constant 0 : i32
      %dma_wait3A_606 = tpu.memref_slice %arg10[%dma_wait3A_604, %dma_wait3A_605] : memref<32x128xf32, #tpu.memory_space<vmem>> -> memref<8x128xf32, #tpu.memory_space<vmem>>
      tpu.wait_dma2 semaphore(%arg15 : memref<!tpu.dma_semaphore, #tpu.memory_space<semaphore_mem>>) src(%dma_wait3A_606 : memref<8x128xf32, #tpu.memory_space<vmem>>) dst(%dma_wait3A_603 : memref<8x128xf32, #tpu.memory_space<hbm>>)
      %dma_wait3A_607 = arith.constant 1 : i32
      %dma_wait3A_608 = arith.constant 8 : i32
      %dma_wait3A_609 = arith.constant 0 : i32
      %dma_wait3A_610 = tpu.memref_slice %arg10[%dma_wait3A_608, %dma_wait3A_609] : memref<32x128xf32, #tpu.memory_space<vmem>> -> memref<8x128xf32, #tpu.memory_space<vmem>>
      %dma_wait3A_611 = arith.constant 0 : i32
      %dma_wait3A_612 = arith.constant 0 : i32
      %dma_wait3A_613 = tpu.memref_slice %arg4[%scan3A_10, %dma_wait3A_607, %add3A_482, %dma_wait3A_611, %dma_wait3A_612] : memref<50x4x128x8x128xf32, #tpu.memory_space<hbm>> -> memref<1x1x1x8x128xf32, #tpu.memory_space<hbm>>
      %dma_wait3A_614 = tpu.memref_squeeze %dma_wait3A_613 : memref<1x1x1x8x128xf32, #tpu.memory_space<hbm>> -> memref<8x128xf32, #tpu.memory_space<hbm>>
      %dma_wait3A_615 = arith.constant 0 : i32
      %dma_wait3A_616 = arith.constant 0 : i32
      %dma_wait3A_617 = tpu.memref_slice %arg4[%scan3A_10, %dma_wait3A_607, %add3A_482, %dma_wait3A_615, %dma_wait3A_616] : memref<50x4x128x8x128xf32, #tpu.memory_space<hbm>> -> memref<1x1x1x8x128xf32, #tpu.memory_space<hbm>>
      %dma_wait3A_618 = tpu.memref_squeeze %dma_wait3A_617 : memref<1x1x1x8x128xf32, #tpu.memory_space<hbm>> -> memref<8x128xf32, #tpu.memory_space<hbm>>
      %dma_wait3A_619 = arith.constant 8 : i32
      %dma_wait3A_620 = arith.constant 0 : i32
      %dma_wait3A_621 = tpu.memref_slice %arg10[%dma_wait3A_619, %dma_wait3A_620] : memref<32x128xf32, #tpu.memory_space<vmem>> -> memref<8x128xf32, #tpu.memory_space<vmem>>
      tpu.wait_dma2 semaphore(%arg15 : memref<!tpu.dma_semaphore, #tpu.memory_space<semaphore_mem>>) src(%dma_wait3A_621 : memref<8x128xf32, #tpu.memory_space<vmem>>) dst(%dma_wait3A_618 : memref<8x128xf32, #tpu.memory_space<hbm>>)
      %dma_wait3A_622 = arith.constant 2 : i32
      %dma_wait3A_623 = arith.constant 16 : i32
      %dma_wait3A_624 = arith.constant 0 : i32
      %dma_wait3A_625 = tpu.memref_slice %arg10[%dma_wait3A_623, %dma_wait3A_624] : memref<32x128xf32, #tpu.memory_space<vmem>> -> memref<8x128xf32, #tpu.memory_space<vmem>>
      %dma_wait3A_626 = arith.constant 0 : i32
      %dma_wait3A_627 = arith.constant 0 : i32
      %dma_wait3A_628 = tpu.memref_slice %arg4[%scan3A_10, %dma_wait3A_622, %add3A_499, %dma_wait3A_626, %dma_wait3A_627] : memref<50x4x128x8x128xf32, #tpu.memory_space<hbm>> -> memref<1x1x1x8x128xf32, #tpu.memory_space<hbm>>
      %dma_wait3A_629 = tpu.memref_squeeze %dma_wait3A_628 : memref<1x1x1x8x128xf32, #tpu.memory_space<hbm>> -> memref<8x128xf32, #tpu.memory_space<hbm>>
      %dma_wait3A_630 = arith.constant 0 : i32
      %dma_wait3A_631 = arith.constant 0 : i32
      %dma_wait3A_632 = tpu.memref_slice %arg4[%scan3A_10, %dma_wait3A_622, %add3A_499, %dma_wait3A_630, %dma_wait3A_631] : memref<50x4x128x8x128xf32, #tpu.memory_space<hbm>> -> memref<1x1x1x8x128xf32, #tpu.memory_space<hbm>>
      %dma_wait3A_633 = tpu.memref_squeeze %dma_wait3A_632 : memref<1x1x1x8x128xf32, #tpu.memory_space<hbm>> -> memref<8x128xf32, #tpu.memory_space<hbm>>
      %dma_wait3A_634 = arith.constant 16 : i32
      %dma_wait3A_635 = arith.constant 0 : i32
      %dma_wait3A_636 = tpu.memref_slice %arg10[%dma_wait3A_634, %dma_wait3A_635] : memref<32x128xf32, #tpu.memory_space<vmem>> -> memref<8x128xf32, #tpu.memory_space<vmem>>
      tpu.wait_dma2 semaphore(%arg15 : memref<!tpu.dma_semaphore, #tpu.memory_space<semaphore_mem>>) src(%dma_wait3A_636 : memref<8x128xf32, #tpu.memory_space<vmem>>) dst(%dma_wait3A_633 : memref<8x128xf32, #tpu.memory_space<hbm>>)
      %dma_wait3A_637 = arith.constant 3 : i32
      %dma_wait3A_638 = arith.constant 24 : i32
      %dma_wait3A_639 = arith.constant 0 : i32
      %dma_wait3A_640 = tpu.memref_slice %arg10[%dma_wait3A_638, %dma_wait3A_639] : memref<32x128xf32, #tpu.memory_space<vmem>> -> memref<8x128xf32, #tpu.memory_space<vmem>>
      %dma_wait3A_641 = arith.constant 0 : i32
      %dma_wait3A_642 = arith.constant 0 : i32
      %dma_wait3A_643 = tpu.memref_slice %arg4[%scan3A_10, %dma_wait3A_637, %add3A_516, %dma_wait3A_641, %dma_wait3A_642] : memref<50x4x128x8x128xf32, #tpu.memory_space<hbm>> -> memref<1x1x1x8x128xf32, #tpu.memory_space<hbm>>
      %dma_wait3A_644 = tpu.memref_squeeze %dma_wait3A_643 : memref<1x1x1x8x128xf32, #tpu.memory_space<hbm>> -> memref<8x128xf32, #tpu.memory_space<hbm>>
      %dma_wait3A_645 = arith.constant 0 : i32
      %dma_wait3A_646 = arith.constant 0 : i32
      %dma_wait3A_647 = tpu.memref_slice %arg4[%scan3A_10, %dma_wait3A_637, %add3A_516, %dma_wait3A_645, %dma_wait3A_646] : memref<50x4x128x8x128xf32, #tpu.memory_space<hbm>> -> memref<1x1x1x8x128xf32, #tpu.memory_space<hbm>>
      %dma_wait3A_648 = tpu.memref_squeeze %dma_wait3A_647 : memref<1x1x1x8x128xf32, #tpu.memory_space<hbm>> -> memref<8x128xf32, #tpu.memory_space<hbm>>
      %dma_wait3A_649 = arith.constant 24 : i32
      %dma_wait3A_650 = arith.constant 0 : i32
      %dma_wait3A_651 = tpu.memref_slice %arg10[%dma_wait3A_649, %dma_wait3A_650] : memref<32x128xf32, #tpu.memory_space<vmem>> -> memref<8x128xf32, #tpu.memory_space<vmem>>
      tpu.wait_dma2 semaphore(%arg15 : memref<!tpu.dma_semaphore, #tpu.memory_space<semaphore_mem>>) src(%dma_wait3A_651 : memref<8x128xf32, #tpu.memory_space<vmem>>) dst(%dma_wait3A_648 : memref<8x128xf32, #tpu.memory_space<hbm>>)
    }
    %scan3A_9 = arith.constant 50 : i32
    return
  }
}

</mosaic_0001>

<sc_bundles>
// kernel: kernel.3.cloned.1.call-start
scs
__scs_entry_jumppad:
0x0: {  	(pc) =	sbr.rel $0x88, $3  }
0x1: {  	(tag) =	ssettag $0x0;
	lr =	simm.s32 $0x1  }
0x2: {  	[smem:$0x3F9F] =	sst lr;
	_ =	strace $0xD0000000  }
0x3: {  	_ = 	snop  }
0x4: {  	_ = 	snop  }
0x5: {  	_ = 	snop  }
0x6: {  	_ = 	snop  }
0x7: {  	_ = 	snop  }
__scs_overlays_trampoline_lowered:
0x8: {  	[smem:$0x3FAE] =	sst s0  }
0x9: {  	[smem:$0x3FAF] =	sst s1  }
0xa: {  	[smem:$0x3FB0] =	sst s2  }
0xb: {  	[smem:$0x3FB1] =	sst s3  }
0xc: {  	[smem:$0x3FB2] =	sst s4  }
0xd: {  	[smem:$0x3FB3] =	sst s5  }
0xe: {  	[smem:$0x3FB4] =	sst s6  }
0xf: {  	[smem:$0x3FB5] =	sst s7  }
0x10: {  	[smem:$0x3FB6] =	sst s8  }
0x11: {  	[smem:$0x3FB7] =	sst s9;
	s0 =	simm.s32 @!p0 $0x0  }
0x12: {  	s1 =	sld [smem:$0x3F9D];
	s0 =	simm.s32 @p0 $0x1  }
0x13: {  	[smem:$0x3FB8] =	sst s0;
	s0 =	simm.s32 @!p1 $0x0  }
0x14: {  	s2 =	sld [smem:$0x3F9C];
	s0 =	simm.s32 @p1 $0x1  }
0x15: {  	[smem:$0x3FB9] =	sst s0;
	s0 =	simm.s32 @!p2 $0x0  }
0x16: {  	s3 =	sld [smem:$0x3FDB];
	s0 =	simm.s32 @p2 $0x1  }
0x17: {  	s4 =	simm.s32 $0x1BF5;
	[smem:$0x3FBB] =	sst s0  }
0x18: {  	s0 =	sld [smem:$0x3F9E];
	_ =	swait.ge [sflag:s4], $0x0  }
0x19: {  	s7 =	sld [smem:$0x3F9F]  }
0x1a: {  	s8 =	sadd.s32 $0xFFFFE003, lr  }
0x1b: {  	s9 =	sadd.s32 $0xFFFFFEF7, lr;
	s5 =	simm.s32 $0xFFFFFFFF;
	p2 =	slt.u32 s8, $0xFFFFF086  }
0x1c: {  	p1 =	slt.u32 s9, $0xF7A;
	s5 =	simm.s32 @!p2 $0x0  }
0x1d: {  	s5 =	simm.s32 @p1 $0x1;
	p0 =	seq.s32 s7, s2  }
0x1e: {  	s7 =	smul.u32 @!p0 $0xF7A, s2;
	p2 =	seq.s32 @!p0 s5, $0x0  }
0x1f: {  	s9 =	smul.u32 $0xF7A, s1;
	s8 =	simm.s32 @!p0 $0x1BF5;
	p2 =	por !p2, p0  }
0x20: {  	[sflag:s8] =	ssyncset.s32 @!p0 $0xFFFFF086;
	s6 =	sadd.s32 @!p0 s3, s7;
	s7 =	simm.s32 @!p0 $0x108  }
0x21: {  	s3 =	sadd.s32 s3, s9;
	s6 =	sadd.s32 @!p0 $0x88, s6;
	s7 =	simm.s32 @p2 $0x1082  }
0x22: {  	[simem:s7], [sflag:s8] =	dma.local @!p0 [hbm:s6], $0xF7A  }
0x23: {  	s9 =	sor.u32 $0xD0000000, s2;
	s6 =	simm.s32 $0x108;
	_ =	swait.ge @!p0 [sflag:s8], $0x0  }
0x24: {  	s3 =	sadd.s32 $0x88, s3;
	s6 =	simm.s32 @!p1 $0x1082;
	[sflag:s4] =	ssyncset.s32 $0xFFFFF086  }
0x25: {  	[simem:s6], [sflag:s4] =	dma.local [hbm:s3], $0xF7A  }
0x26: {  	[smem:$0x3F9F] =	sst s1;
	(tag) =	ssettag s2;
	_ =	strace s9  }
0x27: {  	s1 =	sld [smem:$0x3FAF]  }
0x28: {  	s2 =	sld [smem:$0x3FB0]  }
0x29: {  	s4 =	sld [smem:$0x3FB2]  }
0x2a: {  	p0 =	seq.s32 s5, $0x0;
	s5 =	sld [smem:$0x3FB3]  }
0x2b: {  	s6 =	sld [smem:$0x3FB4]  }
0x2c: {  	s7 =	sld [smem:$0x3FB5]  }
0x2d: {  	s3 =	simm.s32 $0x108;
	s8 =	sld [smem:$0x3FB6]  }
0x2e: {  	s3 =	simm.s32 @!p0 $0x1082;
	s9 =	sld [smem:$0x3FB7]  }
0x2f: {  	lr =	sadd.s32 s0, s3;
	s0 =	sld [smem:$0x3FAE]  }
0x30: {  	s3 =	sld [smem:$0x3FB1]  }
0x31: {  	[smem:$0x3FBA] =	sst s10  }
0x32: {  	s10 =	sld [smem:$0x3FB8];
	_ =	sdelay $0x3  }
0x33: {  	p0 =	seq.s32 s10, $0x1;
	s10 =	sld [smem:$0x3FBA];
	_ =	sdelay $0x3  }
0x34: {  	[smem:$0x3FBA] =	sst s10  }
0x35: {  	s10 =	sld [smem:$0x3FB9];
	_ =	sdelay $0x3  }
0x36: {  	p1 =	seq.s32 s10, $0x1;
	s10 =	sld [smem:$0x3FBA];
	_ =	sdelay $0x3  }
0x37: {  	[smem:$0x3FBA] =	sst s10  }
0x38: {  	s10 =	sld [smem:$0x3FBB]  }
0x39: {  	_ = 	snop;
	(pc) =	sbr.ind lr, $3  }
0x3a: {  	_ = 	snop  }
0x3b: {  	_ = 	snop  }
0x3c: {  	p2 =	seq.s32 s10, $0x1;
	s10 =	sld [smem:$0x3FBA]  }
0x3d: {  	_ =	shalt  }
0x3e: {  	_ =	shalt  }
0x3f: {  	_ =	shalt  }
0x40: {  	_ =	shalt  }
0x41: {  	_ =	shalt  }
0x42: {  	_ =	shalt  }
0x43: {  	_ =	shalt  }
0x44: {  	_ =	shalt  }
0x45: {  	_ =	shalt  }
0x46: {  	_ =	shalt  }
0x47: {  	_ =	shalt  }
0x48: {  	_ =	shalt  }
0x49: {  	_ =	shalt  }
0x4a: {  	_ =	shalt  }
0x4b: {  	_ =	shalt  }
0x4c: {  	_ =	shalt  }
0x4d: {  	_ =	shalt  }
0x4e: {  	_ =	shalt  }
0x4f: {  	_ =	shalt  }
0x50: {  	_ =	shalt  }
0x51: {  	_ =	shalt  }
0x52: {  	_ =	shalt  }
0x53: {  	_ =	shalt  }
0x54: {  	_ =	shalt  }
0x55: {  	_ =	shalt  }
0x56: {  	_ =	shalt  }
0x57: {  	_ =	shalt  }
0x58: {  	_ =	shalt  }
0x59: {  	_ =	shalt  }
0x5a: {  	_ =	shalt  }
0x5b: {  	_ =	shalt  }
0x5c: {  	_ =	shalt  }
0x5d: {  	_ =	shalt  }
0x5e: {  	_ =	shalt  }
0x5f: {  	_ =	shalt  }
0x60: {  	_ =	shalt  }
0x61: {  	_ =	shalt  }
0x62: {  	_ =	shalt  }
0x63: {  	_ =	shalt  }
0x64: {  	_ =	shalt  }
0x65: {  	_ =	shalt  }
0x66: {  	_ =	shalt  }
0x67: {  	_ =	shalt  }
0x68: {  	_ =	shalt  }
0x69: {  	_ =	shalt  }
0x6a: {  	_ =	shalt  }
0x6b: {  	_ =	shalt  }
0x6c: {  	_ =	shalt  }
0x6d: {  	_ =	shalt  }
0x6e: {  	_ =	shalt  }
0x6f: {  	_ =	shalt  }
0x70: {  	_ =	shalt  }
0x71: {  	_ =	shalt  }
0x72: {  	_ =	shalt  }
0x73: {  	_ =	shalt  }
0x74: {  	_ =	shalt  }
0x75: {  	_ =	shalt  }
0x76: {  	_ =	shalt  }
0x77: {  	_ =	shalt  }
0x78: {  	_ =	shalt  }
0x79: {  	_ =	shalt  }
0x7a: {  	_ =	shalt  }
0x7b: {  	_ =	shalt  }
0x7c: {  	_ =	shalt  }
0x7d: {  	_ =	shalt  }
0x7e: {  	_ =	shalt  }
0x7f: {  	_ =	shalt  }
0x80: {  	_ =	shalt  }
0x81: {  	_ =	shalt  }
0x82: {  	_ =	shalt  }
0x83: {  	_ =	shalt  }
0x84: {  	_ =	shalt  }
0x85: {  	_ =	shalt  }
0x86: {  	_ =	shalt  }
0x87: {  	_ =	shalt  }
.Lfunc_end0:
.L_simem_size_0:
called_computation_lowered:
.L_overlay_start_0:
0x88: {  	s2 =	sld [smem:$0x3FD9]  }
0x89: {  	s3 =	sld [smem:$0x3FFE];
	_ =	sdelay $0x1  }
0x8a: {  	s1 =	srdreg.scid  }
0x8b: {  	s0 =	sand.u32 $0x1, s1  }
0x8c: {  	s17 =	sshll.u32 s0, $0xA;
	s2 =	sadd.s32 s3, s2  }
0x8d: {  	s2 =	sadd.s32 s2, s17  }
0x8e: {  	[smem:$0x3FC6] =	sst s2  }
0x8f: {  	_ = 	snop  }
0x90: {  	s2 =	sld [smem:$0x3FD0];
	(tm) =	ssettm $0x1  }
0x91: {  	s18 =	sld [smem:$0x3FFB];
	_ =	sdelay $0x3  }
0x92: {  	_ =	strace s18  }
0x93: {  	s3 =	sld [smem:$0x3FFC];
	_ =	sdelay $0x3  }
0x94: {  	_ =	strace s3  }
0x95: {  	s3 =	sld [smem:$0x3FFD];
	_ =	sdelay $0x3  }
0x96: {  	_ =	strace s3  }
0x97: {  	_ =	strace $0x8FFFFFFF  }
0x98: {  	s19 =	sld [smem:$0x3FDB];
	_ =	sdelay $0x1  }
0x99: {  	s4 =	simm.s32 $_scs_section_size  }
0x9a: {  	s5 =	simm.s32 $_size__tile_overlayer_lowered;
	s6 =	simm.s32 $_tile_overlayer_lowered  }
0x9b: {  	s22 =	simm.s32 $0x1BFF;
	s21 =	sshll.u32 s6, $0x1;
	s3 =	sadd.s32 s4, s19  }
0x9c: {  	s7 =	simm.s32 $0x0;
	s20 =	sshll.u32 s5, $0x1;
	s5 =	sadd.s32 s21, s3  }
0x9d: {  	[timem:s7], [sflag:s22] =	dma.local [hbm:s5], s20  }
0x9e: {  	_ =	swait.ge [sflag:s22], s20  }
0x9f: {  	s4 =	ssub.s32 $0x0, s20;
	[sflag:s22] =	ssyncset.done $0x0  }
0xa0: {  	[sflag:s22] =	ssyncadd.s32 s4;
	_ =	sdelay $0x1  }
0xa1: {  	s23 =	simm.s32 $0x1B8B  }
0xa2: {  	_ =	swait.ge [sflag:s23], $0x1  }
0xa3: {  	[sflag:s23] =	ssyncset.done $0x0  }
0xa4: {  	s25 =	simm.s32 $0x1B8E;
	s24 =	sld [smem:$0x3FFE];
	[sflag:s23] =	ssyncadd.s32 $0xFFFFFFFF  }
0xa5: {  	s26 =	simm.s32 $execute0_lowered;
	[smem:$0x3FD2] =	sst s25  }
0xa6: {  	s5 =	sshll.u32 s26, $0x1;
	_ =	strace $0x80000046;
	[dreg:$0x1] =	wrdreg $0xFFFFFFFF  }
0xa7: {  	s28 =	simm.s32 $_size_execute0_lowered;
	s3 =	sadd.s32 s3, s5;
	[dreg:$0x0] =	wrdreg $0x0  }
0xa8: {  	s5 =	sshll.u32 s28, $0x1;
	[dreg:$0x2] =	wrdreg s3  }
0xa9: {  	[dreg:$0x3] =	wrdreg s5  }
0xaa: {  	[dreg:$0x4] =	wrdreg $0xC0  }
0xab: {  	_ =	task [dreg:s7], $0x5FFFF  }
0xac: {  	[dreg:$0x1] =	wrdreg $0xFFFFFFFF  }
0xad: {  	[dreg:$0x0] =	wrdreg $0x60  }
0xae: {  	[dreg:$0x2] =	wrdreg s24  }
0xaf: {  	[dreg:$0x3] =	wrdreg s2  }
0xb0: {  	[dreg:$0x4] =	wrdreg $0x9  }
0xb1: {  	_ =	task.clear_ibuf [dreg:s7], $0x5FFFF;
	_ =	strace $0x90000046  }
0xb2: {  	s29 =	simm.s32 $0x9;
	_ =	strace $0x80000048  }
0xb3: {  	_ =	swait.ge [sflag:s29], $0x1  }
0xb4: {  	[sflag:s29] =	ssyncadd.s32 $0xFFFFFFFF  }
0xb5: {  	_ =	strace $0x90000048  }
0xb6: {  	_ =	sfence  }
0xb7: {  	s30 =	sld [smem:$0x0];
	_ =	sdelay $0x2  }
0xb8: {  	s31 =	sshll.u32 s1, $0xD;
	s1 =	sshrl.u32 s1, $0x2  }
0xb9: {  	s3 =	sand.u32 $0x4000, s31;
	s1 =	sadd.s32 s1, s30  }
0xba: {  	s0 =	sor.u32 s3, s0;
	s1 =	sshll.u32 s1, $0x11  }
0xbb: {  	s0 =	sor.u32 s1, s0  }
0xbc: {  	s0 =	sadd.s32 $0x8F2B, s0  }
0xbd: {  	[sflag:s0] =	ssyncadd.remote.s32 $0x1  }
0xbe: {  	_ =	sfence.sel $0xFFFF  }
0xbf: {  	[dreg:$0x0] =	wrdreg $0xFFFFFFFF;
	(pc) =	sbr.abs _section_cstart, $3  }
0xc0: {  	[dreg:$0x1] =	wrdreg $0xFFFFFFFF  }
0xc1: {  	_ =	task.clear_ibuf [dreg:s7], $0x2FFFF;
	_ =	strace $0x9FFFFFFF  }
0xc2: {  	(tm) =	ssettm $0x7FFFFFFF  }
0xc3: {  	_ =	shalt  }
tec
execute0_lowered:
.L_overlay_start_1:
0x0: {  	(tag) =	ssettag $0x1  }
0x1: {  	s0 =	rddreg [dreg:$0x0]  }
0x2: {  	s2 =	rddreg [dreg:$0x1]  }
0x3: {  	s1 =	srdreg.scid;
	s4 =	stileid.u32;
	s3 =	simm.s32 $0x0  }
0x4: {  	s14 =	simm.s32 $0x80;
	s16 =	simm.s32 $0x7200;
	s18 =	simm.s32 $0x8200  }
0x5: {  	s19 =	simm.s32 $0x1;
	s21 =	simm.s32 $0x9200;
	s22 =	simm.s32 $0x9600  }
0x6: {  	s23 =	simm.s32 $0x9A00;
	s24 =	simm.s32 $0x9E00;
	s28 =	simm.s32 $0xA200  }
0x7: {  	s29 =	simm.s32 $0xA600;
	s30 =	simm.s32 $0xAA00;
	s31 =	simm.s32 $0xAE00  }
0x8: {  	s10 =	simm.s32 $0x0;
	s1 =	sand.u32 $0x1, s1;
	s4 =	sshll.u32 s4, $0x3  }
0x9: {  	[smem:$0x7FF] =	sst s3;
	s7 =	sadd.s32 $0x4000, s2;
	s5 =	sshll.u32 s1, $0x2  }
0xa: {  	s8 =	sadd.s32 $0x8000, s2;
	s9 =	sadd.s32 $0xC000, s2;
	s5 =	sor.u32 s5, s4  }
0xb: {  	_ =	strace $0x80000047;
	s1 =	ssub.s32 $0x2, s1;
	s4 =	sshll.u32 s5, $0x7  }
0xc: {  	v0 =	vlaneseq.u32;
	s25 =	sshrl.u32 s1, $0x1;
	s5 =	sshll.u32 s5, $0xA;
	s6 =	sadd.s32 s4, s0  }
0xd: {  	v0 =	vmul.u32 $0x101, v0;
	s4 =	sadd.s32 $0xF42A00, s0;
	s0 =	ssub.s32 s1, s25;
	s26 =	sadd.s32 $0x600, s6  }
0xe: {  	s25 =	simm.s32 $0x2;
	s0 =	smax.u32 s0, $0x1;
	[dreg:$0x3] =	wrdreg s26  }
0xf: {  	v1 =	vadd.s32 $0x1010, v0;
	s1 =	simm.s32 $0x4;
	[dreg:$0x4] =	wrdreg s0;
	s0 =	simm.s32 $0x3  }
.LBB2_1:
0x10: {  	[dreg:$0x5] =	wrdreg s10  }
0x11: {  	s6 =	rddreg [dreg:$0x3]  }
0x12: {  	s20 =	simm.s32 $0x1000;
	s11 =	simm.s32 $0x20000;
	s26 =	simm.s32 $0x5  }
0x13: {  	[tilespmem:s3], [sflag:$0x5] =	stream.strided.gather [hbm4b:s6+s20], $0x7000, s11, s20, $0x38;
	[tilespmem:$0xD200] =	vst v63  }
0x14: {  	_ =	swait.ge [sflag:s26], $0x7000  }
0x15: {  	[sflag:s26] =	ssyncset.done $0x0  }
0x16: {  	s12 =	simm.s32 $0x0;
	[sflag:s26] =	ssyncadd.s32 $0xFFFF9000  }
.LBB2_2:
0x17: {  	s6 =	sshll.u32 s12, $0x7;
	s10 =	sshll.u32 s12, $0x9  }
0x18: {  	s6 =	sand.u32 $0x380, s6;
	s10 =	sand.u32 $0x7000, s10  }
0x19: {  	s6 =	sor.u32 s6, s10  }
0x1a: {  	v2 =	vld [tilespmem:s6+$0x0];
	_ =	sdelay $0x4  }
0x1b: {  	vm0 =	vgt.s32 v2, $0x0  }
0x1c: {  	v2 =	vnsel vm0, $0x0, v2  }
0x1d: {  	v2 =	vmin.u32 v2, $0xF423F  }
0x1e: {  	[tilespmem:$0x7000] =	vst v2  }
0x1f: {  	v2 =	vld [tilespmem:s6+$0x10];
	_ =	sdelay $0x4  }
0x20: {  	vm9 =	vgt.s32 v2, $0x0  }
0x21: {  	v2 =	vnsel vm9, $0x0, v2  }
0x22: {  	v2 =	vmin.u32 v2, $0xF423F  }
0x23: {  	[tilespmem:$0x7010] =	vst v2  }
0x24: {  	v2 =	vld [tilespmem:s6+$0x20];
	_ =	sdelay $0x4  }
0x25: {  	vm10 =	vgt.s32 v2, $0x0  }
0x26: {  	v2 =	vnsel vm10, $0x0, v2  }
0x27: {  	v2 =	vmin.u32 v2, $0xF423F  }
0x28: {  	[tilespmem:$0x7020] =	vst v2  }
0x29: {  	v2 =	vld [tilespmem:s6+$0x30];
	_ =	sdelay $0x4  }
0x2a: {  	vm11 =	vgt.s32 v2, $0x0  }
0x2b: {  	v2 =	vnsel vm11, $0x0, v2  }
0x2c: {  	v2 =	vmin.u32 v2, $0xF423F  }
0x2d: {  	[tilespmem:$0x7030] =	vst v2  }
0x2e: {  	v2 =	vld [tilespmem:s6+$0x40];
	_ =	sdelay $0x4  }
0x2f: {  	vm12 =	vgt.s32 v2, $0x0  }
0x30: {  	v2 =	vnsel vm12, $0x0, v2  }
0x31: {  	v2 =	vmin.u32 v2, $0xF423F  }
0x32: {  	[tilespmem:$0x7040] =	vst v2  }
0x33: {  	v2 =	vld [tilespmem:s6+$0x50];
	_ =	sdelay $0x4  }
0x34: {  	vm13 =	vgt.s32 v2, $0x0  }
0x35: {  	v2 =	vnsel vm13, $0x0, v2  }
0x36: {  	v2 =	vmin.u32 v2, $0xF423F  }
0x37: {  	[tilespmem:$0x7050] =	vst v2  }
0x38: {  	v2 =	vld [tilespmem:s6+$0x60];
	_ =	sdelay $0x4  }
0x39: {  	vm14 =	vgt.s32 v2, $0x0  }
0x3a: {  	v2 =	vnsel vm14, $0x0, v2  }
0x3b: {  	v2 =	vmin.u32 v2, $0xF423F  }
0x3c: {  	[tilespmem:$0x7060] =	vst v2  }
0x3d: {  	v2 =	vld [tilespmem:s6+$0x70];
	_ =	sdelay $0x4  }
0x3e: {  	vm15 =	vgt.s32 v2, $0x0  }
0x3f: {  	v2 =	vnsel vm15, $0x0, v2  }
0x40: {  	v2 =	vmin.u32 v2, $0xF423F  }
0x41: {  	[tilespmem:$0x7070] =	vst v2  }
0x42: {  	v2 =	vld [tilespmem:s6+$0x400];
	_ =	sdelay $0x4  }
0x43: {  	vm4 =	vgt.s32 v2, $0x0  }
0x44: {  	v2 =	vnsel vm4, $0x0, v2  }
0x45: {  	v2 =	vmin.u32 v2, $0xF423F  }
0x46: {  	[tilespmem:$0x7080] =	vst v2  }
0x47: {  	v2 =	vld [tilespmem:s6+$0x410];
	_ =	sdelay $0x4  }
0x48: {  	vm5 =	vgt.s32 v2, $0x0  }
0x49: {  	v2 =	vnsel vm5, $0x0, v2  }
0x4a: {  	v2 =	vmin.u32 v2, $0xF423F  }
0x4b: {  	[tilespmem:$0x7090] =	vst v2  }
0x4c: {  	v2 =	vld [tilespmem:s6+$0x420];
	_ =	sdelay $0x4  }
0x4d: {  	vm6 =	vgt.s32 v2, $0x0  }
0x4e: {  	v2 =	vnsel vm6, $0x0, v2  }
0x4f: {  	v2 =	vmin.u32 v2, $0xF423F  }
0x50: {  	[tilespmem:$0x70A0] =	vst v2  }
0x51: {  	v2 =	vld [tilespmem:s6+$0x430];
	_ =	sdelay $0x4  }
0x52: {  	vm7 =	vgt.s32 v2, $0x0  }
0x53: {  	v2 =	vnsel vm7, $0x0, v2  }
0x54: {  	v2 =	vmin.u32 v2, $0xF423F  }
0x55: {  	[tilespmem:$0x70B0] =	vst v2  }
0x56: {  	v2 =	vld [tilespmem:s6+$0x440];
	_ =	sdelay $0x4  }
0x57: {  	vm8 =	vgt.s32 v2, $0x0  }
0x58: {  	v2 =	vnsel vm8, $0x0, v2  }
0x59: {  	v2 =	vmin.u32 v2, $0xF423F  }
0x5a: {  	[tilespmem:$0x70C0] =	vst v2  }
0x5b: {  	v2 =	vld [tilespmem:s6+$0x450];
	_ =	sdelay $0x4  }
0x5c: {  	vm9 =	vgt.s32 v2, $0x0  }
0x5d: {  	v2 =	vnsel vm9, $0x0, v2  }
0x5e: {  	v2 =	vmin.u32 v2, $0xF423F  }
0x5f: {  	[tilespmem:$0x70D0] =	vst v2  }
0x60: {  	v2 =	vld [tilespmem:s6+$0x460];
	_ =	sdelay $0x4  }
0x61: {  	vm10 =	vgt.s32 v2, $0x0  }
0x62: {  	v2 =	vnsel vm10, $0x0, v2  }
0x63: {  	v2 =	vmin.u32 v2, $0xF423F  }
0x64: {  	[tilespmem:$0x70E0] =	vst v2  }
0x65: {  	v2 =	vld [tilespmem:s6+$0x470];
	_ =	sdelay $0x4  }
0x66: {  	vm11 =	vgt.s32 v2, $0x0  }
0x67: {  	v2 =	vnsel vm11, $0x0, v2  }
0x68: {  	v2 =	vmin.u32 v2, $0xF423F  }
0x69: {  	[tilespmem:$0x70F0] =	vst v2  }
0x6a: {  	v2 =	vld [tilespmem:s6+$0x800];
	_ =	sdelay $0x4  }
0x6b: {  	vm12 =	vgt.s32 v2, $0x0  }
0x6c: {  	v2 =	vnsel vm12, $0x0, v2  }
0x6d: {  	v2 =	vmin.u32 v2, $0xF423F  }
0x6e: {  	[tilespmem:$0x7100] =	vst v2  }
0x6f: {  	v2 =	vld [tilespmem:s6+$0x810];
	_ =	sdelay $0x4  }
0x70: {  	vm13 =	vgt.s32 v2, $0x0  }
0x71: {  	v2 =	vnsel vm13, $0x0, v2  }
0x72: {  	v2 =	vmin.u32 v2, $0xF423F  }
0x73: {  	[tilespmem:$0x7110] =	vst v2  }
0x74: {  	v2 =	vld [tilespmem:s6+$0x820];
	_ =	sdelay $0x4  }
0x75: {  	vm14 =	vgt.s32 v2, $0x0  }
0x76: {  	v2 =	vnsel vm14, $0x0, v2  }
0x77: {  	v2 =	vmin.u32 v2, $0xF423F  }
0x78: {  	[tilespmem:$0x7120] =	vst v2  }
0x79: {  	v2 =	vld [tilespmem:s6+$0x830];
	_ =	sdelay $0x4  }
0x7a: {  	vm15 =	vgt.s32 v2, $0x0  }
0x7b: {  	v2 =	vnsel vm15, $0x0, v2  }
0x7c: {  	v2 =	vmin.u32 v2, $0xF423F  }
0x7d: {  	[tilespmem:$0x7130] =	vst v2  }
0x7e: {  	v2 =	vld [tilespmem:s6+$0x840];
	_ =	sdelay $0x4  }
0x7f: {  	vm4 =	vgt.s32 v2, $0x0  }
0x80: {  	v2 =	vnsel vm4, $0x0, v2  }
0x81: {  	v2 =	vmin.u32 v2, $0xF423F  }
0x82: {  	[tilespmem:$0x7140] =	vst v2  }
0x83: {  	v2 =	vld [tilespmem:s6+$0x850];
	_ =	sdelay $0x4  }
0x84: {  	vm5 =	vgt.s32 v2, $0x0  }
0x85: {  	v2 =	vnsel vm5, $0x0, v2  }
0x86: {  	v2 =	vmin.u32 v2, $0xF423F  }
0x87: {  	[tilespmem:$0x7150] =	vst v2  }
0x88: {  	v2 =	vld [tilespmem:s6+$0x860];
	_ =	sdelay $0x4  }
0x89: {  	vm6 =	vgt.s32 v2, $0x0  }
0x8a: {  	v2 =	vnsel vm6, $0x0, v2  }
0x8b: {  	v2 =	vmin.u32 v2, $0xF423F  }
0x8c: {  	[tilespmem:$0x7160] =	vst v2  }
0x8d: {  	v2 =	vld [tilespmem:s6+$0x870];
	_ =	sdelay $0x4  }
0x8e: {  	vm7 =	vgt.s32 v2, $0x0  }
0x8f: {  	v2 =	vnsel vm7, $0x0, v2  }
0x90: {  	v2 =	vmin.u32 v2, $0xF423F  }
0x91: {  	[tilespmem:$0x7170] =	vst v2  }
0x92: {  	v2 =	vld [tilespmem:s6+$0xC00];
	_ =	sdelay $0x4  }
0x93: {  	vm8 =	vgt.s32 v2, $0x0  }
0x94: {  	v2 =	vnsel vm8, $0x0, v2  }
0x95: {  	v2 =	vmin.u32 v2, $0xF423F  }
0x96: {  	[tilespmem:$0x7180] =	vst v2  }
0x97: {  	v2 =	vld [tilespmem:s6+$0xC10];
	_ =	sdelay $0x4  }
0x98: {  	vm9 =	vgt.s32 v2, $0x0  }
0x99: {  	v2 =	vnsel vm9, $0x0, v2  }
0x9a: {  	v2 =	vmin.u32 v2, $0xF423F  }
0x9b: {  	[tilespmem:$0x7190] =	vst v2  }
0x9c: {  	v2 =	vld [tilespmem:s6+$0xC20];
	_ =	sdelay $0x4  }
0x9d: {  	vm10 =	vgt.s32 v2, $0x0  }
0x9e: {  	v2 =	vnsel vm10, $0x0, v2  }
0x9f: {  	v2 =	vmin.u32 v2, $0xF423F  }
0xa0: {  	[tilespmem:$0x71A0] =	vst v2  }
0xa1: {  	v2 =	vld [tilespmem:s6+$0xC30];
	_ =	sdelay $0x4  }
0xa2: {  	vm11 =	vgt.s32 v2, $0x0  }
0xa3: {  	v2 =	vnsel vm11, $0x0, v2  }
0xa4: {  	v2 =	vmin.u32 v2, $0xF423F  }
0xa5: {  	[tilespmem:$0x71B0] =	vst v2  }
0xa6: {  	v2 =	vld [tilespmem:s6+$0xC40];
	_ =	sdelay $0x4  }
0xa7: {  	vm12 =	vgt.s32 v2, $0x0  }
0xa8: {  	v2 =	vnsel vm12, $0x0, v2  }
0xa9: {  	v2 =	vmin.u32 v2, $0xF423F  }
0xaa: {  	[tilespmem:$0x71C0] =	vst v2  }
0xab: {  	v2 =	vld [tilespmem:s6+$0xC50];
	_ =	sdelay $0x4  }
0xac: {  	vm13 =	vgt.s32 v2, $0x0  }
0xad: {  	v2 =	vnsel vm13, $0x0, v2  }
0xae: {  	v2 =	vmin.u32 v2, $0xF423F  }
0xaf: {  	[tilespmem:$0x71D0] =	vst v2  }
0xb0: {  	v2 =	vld [tilespmem:s6+$0xC60];
	_ =	sdelay $0x4  }
0xb1: {  	vm14 =	vgt.s32 v2, $0x0  }
0xb2: {  	v2 =	vnsel vm14, $0x0, v2  }
0xb3: {  	v2 =	vmin.u32 v2, $0xF423F  }
0xb4: {  	[tilespmem:$0x71E0] =	vst v2  }
0xb5: {  	v2 =	vld [tilespmem:s6+$0xC70];
	_ =	sdelay $0x4  }
0xb6: {  	vm15 =	vgt.s32 v2, $0x0  }
0xb7: {  	v2 =	vnsel vm15, $0x0, v2  }
0xb8: {  	v2 =	vmin.u32 v2, $0xF423F  }
0xb9: {  	s17 =	simm.s32 $0x7000;
	[tilespmem:$0x71F0] =	vst v2  }
0xba: {  	[tilespmem:s16], [sflag:$0x1] =	stream.indirect.gather [hbm4b:s4+s14], $0x20, s17, s14, $0xb8;
	[tilespmem:$0xD200] =	vst v63  }
0xbb: {  	s20 =	simm.s32 $0x7080  }
0xbc: {  	[tilespmem:s18], [sflag:$0x2] =	stream.indirect.gather [hbm4b:s4+s14], $0x20, s20, s14, $0xb8;
	[tilespmem:$0xD200] =	vst v63  }
0xbd: {  	_ =	swait.ge [sflag:s19], $0x1000  }
0xbe: {  	[sflag:s19] =	ssyncset.done $0x0  }
0xbf: {  	s11 =	simm.s32 $0x7240;
	[sflag:s19] =	ssyncadd.s32 $0xFFFFF000  }
0xc0: {  	v2 =	vld [tilespmem:s11+$0xFFFFFFC0]  }
0xc1: {  	s10 =	simm.s32 $0x0  }
0xc2: {  	v3 =	vadd.s32 s10, v0;
	_ =	sdelay $0x2  }
0xc3: {  	v2 =	vmul.f32 $5.656854150e+00, v2  }
0xc4: {  	s6 =	simm.s32 $0xB200  }
0xc5: {  	[tilespmem:v3+s6+$0x0] =	vst.idx.msk $0xffff, v2  }
0xc6: {  	v2 =	vld [tilespmem:s11+$0xFFFFFFD0];
	_ =	sdelay $0x1  }
0xc7: {  	v3 =	vadd.s32 s10, v1;
	_ =	sdelay $0x2  }
0xc8: {  	v2 =	vmul.f32 $5.656854150e+00, v2;
	_ =	sdelay $0x1  }
0xc9: {  	[tilespmem:v3+s6+$0x0] =	vst.idx.msk $0xffff, v2  }
0xca: {  	v2 =	vld [tilespmem:s11+$0xFFFFFFE0]  }
0xcb: {  	s13 =	simm.s32 $0x1  }
0xcc: {  	v3 =	vadd.s32 s13, v0;
	_ =	sdelay $0x2  }
0xcd: {  	v2 =	vmul.f32 $5.656854150e+00, v2;
	_ =	sdelay $0x1  }
0xce: {  	[tilespmem:v3+s6+$0x0] =	vst.idx.msk $0xffff, v2  }
0xcf: {  	v2 =	vld [tilespmem:s11+$0xFFFFFFF0];
	_ =	sdelay $0x1  }
0xd0: {  	v3 =	vadd.s32 s13, v1;
	_ =	sdelay $0x2  }
0xd1: {  	v2 =	vmul.f32 $5.656854150e+00, v2;
	_ =	sdelay $0x1  }
0xd2: {  	[tilespmem:v3+s6+$0x0] =	vst.idx.msk $0xffff, v2  }
0xd3: {  	v2 =	vld [tilespmem:s11+$0x0]  }
0xd4: {  	s26 =	simm.s32 $0x2  }
0xd5: {  	v3 =	vadd.s32 s26, v0;
	_ =	sdelay $0x2  }
0xd6: {  	v2 =	vmul.f32 $5.656854150e+00, v2;
	_ =	sdelay $0x1  }
0xd7: {  	[tilespmem:v3+s6+$0x0] =	vst.idx.msk $0xffff, v2  }
0xd8: {  	v2 =	vld [tilespmem:s11+$0x10];
	_ =	sdelay $0x1  }
0xd9: {  	v3 =	vadd.s32 s26, v1;
	_ =	sdelay $0x2  }
0xda: {  	v2 =	vmul.f32 $5.656854150e+00, v2;
	_ =	sdelay $0x1  }
0xdb: {  	[tilespmem:v3+s6+$0x0] =	vst.idx.msk $0xffff, v2  }
0xdc: {  	v2 =	vld [tilespmem:s11+$0x20]  }
0xdd: {  	s15 =	simm.s32 $0x3  }
0xde: {  	v3 =	vadd.s32 s15, v0;
	_ =	sdelay $0x2  }
0xdf: {  	v2 =	vmul.f32 $5.656854150e+00, v2;
	_ =	sdelay $0x1  }
0xe0: {  	[tilespmem:v3+s6+$0x0] =	vst.idx.msk $0xffff, v2  }
0xe1: {  	v3 =	vld [tilespmem:s11+$0x30];
	_ =	sdelay $0x1  }
0xe2: {  	v2 =	vadd.s32 s15, v1;
	_ =	sdelay $0x2  }
0xe3: {  	s13 =	simm.s32 $0x4;
	v3 =	vmul.f32 $5.656854150e+00, v3  }
.LBB2_3:
0xe4: {  	p0 =	sne.s32 s13, $0x7C  }
0xe5: {  	s11 =	sadd.s32 $0x80, s11;
	s15 =	smov.u32 s13;
	s13 =	sadd.s32 $0x4, s13;
	[tilespmem:v2+s6+$0x0] =	vst.idx.msk $0xffff, v3  }
0xe6: {  	v2 =	vld [tilespmem:s11+$0xFFFFFFC0];
	_ =	sdelay $0x1  }
0xe7: {  	v3 =	vadd.s32 s15, v0;
	_ =	sdelay $0x2  }
0xe8: {  	v2 =	vmul.f32 $5.656854150e+00, v2;
	_ =	sdelay $0x1  }
0xe9: {  	[tilespmem:v3+s6+$0x0] =	vst.idx.msk $0xffff, v2  }
0xea: {  	v2 =	vld [tilespmem:s11+$0xFFFFFFD0];
	_ =	sdelay $0x1  }
0xeb: {  	v3 =	vadd.s32 s15, v1;
	_ =	sdelay $0x2  }
0xec: {  	v2 =	vmul.f32 $5.656854150e+00, v2;
	_ =	sdelay $0x1  }
0xed: {  	[tilespmem:v3+s6+$0x0] =	vst.idx.msk $0xffff, v2  }
0xee: {  	v2 =	vld [tilespmem:s11+$0xFFFFFFE0]  }
0xef: {  	s17 =	sadd.s32 $0x1, s15  }
0xf0: {  	v3 =	vadd.s32 s17, v0;
	_ =	sdelay $0x2  }
0xf1: {  	v2 =	vmul.f32 $5.656854150e+00, v2;
	_ =	sdelay $0x1  }
0xf2: {  	[tilespmem:v3+s6+$0x0] =	vst.idx.msk $0xffff, v2  }
0xf3: {  	v2 =	vld [tilespmem:s11+$0xFFFFFFF0];
	_ =	sdelay $0x1  }
0xf4: {  	v3 =	vadd.s32 s17, v1;
	_ =	sdelay $0x2  }
0xf5: {  	v2 =	vmul.f32 $5.656854150e+00, v2;
	_ =	sdelay $0x1  }
0xf6: {  	[tilespmem:v3+s6+$0x0] =	vst.idx.msk $0xffff, v2  }
0xf7: {  	v2 =	vld [tilespmem:s11+$0x0]  }
0xf8: {  	s17 =	sadd.s32 $0x2, s15  }
0xf9: {  	v3 =	vadd.s32 s17, v0;
	_ =	sdelay $0x2  }
0xfa: {  	v2 =	vmul.f32 $5.656854150e+00, v2;
	_ =	sdelay $0x1  }
0xfb: {  	[tilespmem:v3+s6+$0x0] =	vst.idx.msk $0xffff, v2  }
0xfc: {  	v2 =	vld [tilespmem:s11+$0x10];
	_ =	sdelay $0x1  }
0xfd: {  	v3 =	vadd.s32 s17, v1;
	_ =	sdelay $0x2  }
0xfe: {  	v2 =	vmul.f32 $5.656854150e+00, v2;
	_ =	sdelay $0x1  }
0xff: {  	[tilespmem:v3+s6+$0x0] =	vst.idx.msk $0xffff, v2  }
0x100: {  	v2 =	vld [tilespmem:s11+$0x20]  }
0x101: {  	s15 =	sadd.s32 $0x3, s15  }
0x102: {  	v3 =	vadd.s32 s15, v0;
	_ =	sdelay $0x2  }
0x103: {  	v2 =	vmul.f32 $5.656854150e+00, v2;
	_ =	sdelay $0x1  }
0x104: {  	[tilespmem:v3+s6+$0x0] =	vst.idx.msk $0xffff, v2  }
0x105: {  	v3 =	vld [tilespmem:s11+$0x30]  }
.Ltmp0:
0x106: {  	(pc) =	sbr.rel @p0 .LBB2_3-.Ltmp0, $2  }
0x107: {  	v2 =	vadd.s32 s15, v1;
	_ =	sdelay $0x2  }
0x108: {  	v3 =	vmul.f32 $5.656854150e+00, v3  }
0x109: {  	_ =	sdelay $0x1  }
0x10a: {  	s11 =	sand.u32 $0x7, s10;
	s26 =	sand.u32 $0x3FFFFFF8, s10  }
0x10b: {  	s10 =	sor.u32 s11, s26  }
0x10c: {  	[tilespmem:v2+s6+$0x0] =	vst.idx.msk $0xffff, v3;
	s13 =	sadd.s32 $0xB200, s10  }
0x10d: {  	v2 =	vld [tilespmem:s13+$0x0];
	_ =	sdelay $0x3  }
0x10e: {  	s10 =	simm.s32 $0x9240  }
0x10f: {  	[tilespmem:s10+$0xFFFFFFC0] =	vst v2  }
0x110: {  	v2 =	vld [tilespmem:s13+$0x10];
	_ =	sdelay $0x4  }
0x111: {  	[tilespmem:s10+$0xFFFFFFD0] =	vst v2  }
0x112: {  	v2 =	vld [tilespmem:s13+$0x20];
	_ =	sdelay $0x4  }
0x113: {  	[tilespmem:s10+$0xFFFFFFE0] =	vst v2  }
0x114: {  	v2 =	vld [tilespmem:s13+$0x30];
	_ =	sdelay $0x4  }
0x115: {  	[tilespmem:s10+$0xFFFFFFF0] =	vst v2  }
0x116: {  	v2 =	vld [tilespmem:s13+$0x40];
	_ =	sdelay $0x4  }
0x117: {  	[tilespmem:s10+$0x0] =	vst v2  }
0x118: {  	v2 =	vld [tilespmem:s13+$0x50];
	_ =	sdelay $0x4  }
0x119: {  	[tilespmem:s10+$0x10] =	vst v2  }
0x11a: {  	v2 =	vld [tilespmem:s13+$0x60];
	_ =	sdelay $0x4  }
0x11b: {  	[tilespmem:s10+$0x20] =	vst v2  }
0x11c: {  	v2 =	vld [tilespmem:s13+$0x70];
	_ =	sdelay $0x1  }
0x11d: {  	s11 =	simm.s32 $0x1  }
0x11e: {  	s15 =	sand.u32 $0x7, s11;
	s17 =	sand.u32 $0x3FFFFFF8, s11;
	s13 =	simm.s32 $0x2  }
.LBB2_5:
0x11f: {  	p0 =	sne.s32 s13, $0x1F;
	s15 =	sor.u32 s15, s17;
	s6 =	sadd.s32 $0x100, s6  }
0x120: {  	s15 =	sadd.s32 s15, s6;
	[tilespmem:s10+$0x30] =	vst v2  }
0x121: {  	v2 =	vld [tilespmem:s15+$0x0];
	_ =	sdelay $0x3  }
0x122: {  	s10 =	sadd.s32 $0x80, s10  }
0x123: {  	[tilespmem:s10+$0xFFFFFFC0] =	vst v2  }
0x124: {  	v2 =	vld [tilespmem:s15+$0x10];
	_ =	sdelay $0x4  }
0x125: {  	[tilespmem:s10+$0xFFFFFFD0] =	vst v2  }
0x126: {  	v2 =	vld [tilespmem:s15+$0x20];
	_ =	sdelay $0x4  }
0x127: {  	[tilespmem:s10+$0xFFFFFFE0] =	vst v2  }
0x128: {  	v2 =	vld [tilespmem:s15+$0x30];
	_ =	sdelay $0x4  }
0x129: {  	[tilespmem:s10+$0xFFFFFFF0] =	vst v2  }
0x12a: {  	v2 =	vld [tilespmem:s15+$0x40];
	_ =	sdelay $0x4  }
0x12b: {  	[tilespmem:s10+$0x0] =	vst v2  }
0x12c: {  	v2 =	vld [tilespmem:s15+$0x50];
	_ =	sdelay $0x4  }
0x12d: {  	[tilespmem:s10+$0x10] =	vst v2  }
0x12e: {  	v2 =	vld [tilespmem:s15+$0x60];
	_ =	sdelay $0x4  }
.Ltmp1:
0x12f: {  	[tilespmem:s10+$0x20] =	vst v2;
	(pc) =	sbr.rel @p0 .LBB2_5-.Ltmp1, $3  }
0x130: {  	v2 =	vld [tilespmem:s15+$0x70];
	_ =	sdelay $0x1  }
0x131: {  	s11 =	sadd.s32 $0x1, s11  }
0x132: {  	s17 =	sand.u32 $0x3FFFFFF8, s13;
	s13 =	sadd.s32 $0x1, s13;
	s15 =	sand.u32 $0x7, s11  }
0x133: {  	s11 =	sor.u32 s15, s17;
	s6 =	sadd.s32 $0x100, s6  }
0x134: {  	s6 =	sadd.s32 s11, s6;
	[tilespmem:s10+$0x30] =	vst v2  }
0x135: {  	v2 =	vld [tilespmem:s6+$0x0];
	_ =	sdelay $0x3  }
0x136: {  	s13 =	sadd.s32 $0x80, s10  }
0x137: {  	[tilespmem:s13+$0xFFFFFFC0] =	vst v2  }
0x138: {  	v2 =	vld [tilespmem:s6+$0x10];
	_ =	sdelay $0x4  }
0x139: {  	[tilespmem:s13+$0xFFFFFFD0] =	vst v2  }
0x13a: {  	v2 =	vld [tilespmem:s6+$0x20];
	_ =	sdelay $0x4  }
0x13b: {  	[tilespmem:s13+$0xFFFFFFE0] =	vst v2  }
0x13c: {  	v2 =	vld [tilespmem:s6+$0x30];
	_ =	sdelay $0x4  }
0x13d: {  	[tilespmem:s13+$0xFFFFFFF0] =	vst v2  }
0x13e: {  	v2 =	vld [tilespmem:s6+$0x40];
	_ =	sdelay $0x4  }
0x13f: {  	[tilespmem:s13+$0x0] =	vst v2  }
0x140: {  	v2 =	vld [tilespmem:s6+$0x50];
	_ =	sdelay $0x4  }
0x141: {  	[tilespmem:s13+$0x10] =	vst v2  }
0x142: {  	v2 =	vld [tilespmem:s6+$0x60];
	_ =	sdelay $0x4  }
0x143: {  	[tilespmem:s13+$0x20] =	vst v2  }
0x144: {  	v2 =	vld [tilespmem:s6+$0x70];
	_ =	sdelay $0x2  }
0x145: {  	s17 =	sshll.u32 s12, $0x13  }
0x146: {  	s6 =	sor.u32 s5, s17  }
0x147: {  	s15 =	simm.s32 $0x7100;
	s6 =	sshrl.u32 s6, $0x3;
	[tilespmem:s13+$0x30] =	vst v2  }
0x148: {  	[tilespmem:s16], [sflag:$0x1] =	stream.indirect.gather [hbm4b:s4+s14], $0x20, s15, s14, $0xb8;
	[tilespmem:$0xD200] =	vst v63  }
0x149: {  	s11 =	simm.s32 $0x0;
	s20 =	sadd.s32 s2, s6  }
0x14a: {  	[hbm4b:s20+s11] =	stream.linear.scatter [tilespmem:s21], [sflag:$0x3], $0x400, $0x38;
	[tilespmem:$0xD200] =	vst v63  }
0x14b: {  	s26 =	sadd.s32 s6, s7  }
0x14c: {  	[hbm4b:s26+s11] =	stream.linear.scatter [tilespmem:s22], [sflag:$0x3], $0x400, $0x38;
	[tilespmem:$0xD200] =	vst v63  }
0x14d: {  	s13 =	sadd.s32 s6, s8  }
0x14e: {  	[hbm4b:s13+s11] =	stream.linear.scatter [tilespmem:s23], [sflag:$0x3], $0x400, $0x38;
	[tilespmem:$0xD200] =	vst v63  }
0x14f: {  	s15 =	sadd.s32 s6, s9  }
0x150: {  	[hbm4b:s15+s11] =	stream.linear.scatter [tilespmem:s24], [sflag:$0x3], $0x400, $0x38;
	[tilespmem:$0xD200] =	vst v63  }
0x151: {  	_ =	swait.ge [sflag:s25], $0x1000  }
0x152: {  	[sflag:s25] =	ssyncset.done $0x0  }
0x153: {  	s13 =	simm.s32 $0x8240;
	[sflag:s25] =	ssyncadd.s32 $0xFFFFF000  }
0x154: {  	v2 =	vld [tilespmem:s13+$0xFFFFFFC0];
	_ =	sdelay $0x1  }
0x155: {  	v3 =	vadd.s32 s11, v0;
	_ =	sdelay $0x2  }
0x156: {  	v2 =	vmul.f32 $5.656854150e+00, v2  }
0x157: {  	s10 =	simm.s32 $0xB200  }
0x158: {  	[tilespmem:v3+s10+$0x0] =	vst.idx.msk $0xffff, v2  }
0x159: {  	v2 =	vld [tilespmem:s13+$0xFFFFFFD0];
	_ =	sdelay $0x1  }
0x15a: {  	v3 =	vadd.s32 s11, v1;
	_ =	sdelay $0x2  }
0x15b: {  	v2 =	vmul.f32 $5.656854150e+00, v2;
	_ =	sdelay $0x1  }
0x15c: {  	[tilespmem:v3+s10+$0x0] =	vst.idx.msk $0xffff, v2  }
0x15d: {  	v2 =	vld [tilespmem:s13+$0xFFFFFFE0]  }
0x15e: {  	s17 =	simm.s32 $0x1  }
0x15f: {  	v3 =	vadd.s32 s17, v0;
	_ =	sdelay $0x2  }
0x160: {  	v2 =	vmul.f32 $5.656854150e+00, v2;
	_ =	sdelay $0x1  }
0x161: {  	[tilespmem:v3+s10+$0x0] =	vst.idx.msk $0xffff, v2  }
0x162: {  	v2 =	vld [tilespmem:s13+$0xFFFFFFF0];
	_ =	sdelay $0x1  }
0x163: {  	v3 =	vadd.s32 s17, v1;
	_ =	sdelay $0x2  }
0x164: {  	v2 =	vmul.f32 $5.656854150e+00, v2;
	_ =	sdelay $0x1  }
0x165: {  	[tilespmem:v3+s10+$0x0] =	vst.idx.msk $0xffff, v2  }
0x166: {  	v2 =	vld [tilespmem:s13+$0x0]  }
0x167: {  	s20 =	simm.s32 $0x2  }
0x168: {  	v3 =	vadd.s32 s20, v0;
	_ =	sdelay $0x2  }
0x169: {  	v2 =	vmul.f32 $5.656854150e+00, v2;
	_ =	sdelay $0x1  }
0x16a: {  	[tilespmem:v3+s10+$0x0] =	vst.idx.msk $0xffff, v2  }
0x16b: {  	v2 =	vld [tilespmem:s13+$0x10];
	_ =	sdelay $0x1  }
0x16c: {  	v3 =	vadd.s32 s20, v1;
	_ =	sdelay $0x2  }
0x16d: {  	v2 =	vmul.f32 $5.656854150e+00, v2;
	_ =	sdelay $0x1  }
0x16e: {  	[tilespmem:v3+s10+$0x0] =	vst.idx.msk $0xffff, v2  }
0x16f: {  	v2 =	vld [tilespmem:s13+$0x20]  }
0x170: {  	s26 =	simm.s32 $0x3  }
0x171: {  	v3 =	vadd.s32 s26, v0;
	_ =	sdelay $0x2  }
0x172: {  	v2 =	vmul.f32 $5.656854150e+00, v2;
	_ =	sdelay $0x1  }
0x173: {  	[tilespmem:v3+s10+$0x0] =	vst.idx.msk $0xffff, v2  }
0x174: {  	v3 =	vld [tilespmem:s13+$0x30];
	_ =	sdelay $0x1  }
0x175: {  	v2 =	vadd.s32 s26, v1;
	_ =	sdelay $0x2  }
0x176: {  	s15 =	simm.s32 $0x4;
	v3 =	vmul.f32 $5.656854150e+00, v3  }
.LBB2_7:
0x177: {  	p0 =	sne.s32 s15, $0x7C  }
0x178: {  	s13 =	sadd.s32 $0x80, s13;
	s17 =	smov.u32 s15;
	s15 =	sadd.s32 $0x4, s15;
	[tilespmem:v2+s10+$0x0] =	vst.idx.msk $0xffff, v3  }
0x179: {  	v2 =	vld [tilespmem:s13+$0xFFFFFFC0];
	_ =	sdelay $0x1  }
0x17a: {  	v3 =	vadd.s32 s17, v0;
	_ =	sdelay $0x2  }
0x17b: {  	v2 =	vmul.f32 $5.656854150e+00, v2;
	_ =	sdelay $0x1  }
0x17c: {  	[tilespmem:v3+s10+$0x0] =	vst.idx.msk $0xffff, v2  }
0x17d: {  	v2 =	vld [tilespmem:s13+$0xFFFFFFD0];
	_ =	sdelay $0x1  }
0x17e: {  	v3 =	vadd.s32 s17, v1;
	_ =	sdelay $0x2  }
0x17f: {  	v2 =	vmul.f32 $5.656854150e+00, v2;
	_ =	sdelay $0x1  }
0x180: {  	[tilespmem:v3+s10+$0x0] =	vst.idx.msk $0xffff, v2  }
0x181: {  	v2 =	vld [tilespmem:s13+$0xFFFFFFE0]  }
0x182: {  	s20 =	sadd.s32 $0x1, s17  }
0x183: {  	v3 =	vadd.s32 s20, v0;
	_ =	sdelay $0x2  }
0x184: {  	v2 =	vmul.f32 $5.656854150e+00, v2;
	_ =	sdelay $0x1  }
0x185: {  	[tilespmem:v3+s10+$0x0] =	vst.idx.msk $0xffff, v2  }
0x186: {  	v2 =	vld [tilespmem:s13+$0xFFFFFFF0];
	_ =	sdelay $0x1  }
0x187: {  	v3 =	vadd.s32 s20, v1;
	_ =	sdelay $0x2  }
0x188: {  	v2 =	vmul.f32 $5.656854150e+00, v2;
	_ =	sdelay $0x1  }
0x189: {  	[tilespmem:v3+s10+$0x0] =	vst.idx.msk $0xffff, v2  }
0x18a: {  	v2 =	vld [tilespmem:s13+$0x0]  }
0x18b: {  	s20 =	sadd.s32 $0x2, s17  }
0x18c: {  	v3 =	vadd.s32 s20, v0;
	_ =	sdelay $0x2  }
0x18d: {  	v2 =	vmul.f32 $5.656854150e+00, v2;
	_ =	sdelay $0x1  }
0x18e: {  	[tilespmem:v3+s10+$0x0] =	vst.idx.msk $0xffff, v2  }
0x18f: {  	v2 =	vld [tilespmem:s13+$0x10];
	_ =	sdelay $0x1  }
0x190: {  	v3 =	vadd.s32 s20, v1;
	_ =	sdelay $0x2  }
0x191: {  	v2 =	vmul.f32 $5.656854150e+00, v2;
	_ =	sdelay $0x1  }
0x192: {  	[tilespmem:v3+s10+$0x0] =	vst.idx.msk $0xffff, v2  }
0x193: {  	v2 =	vld [tilespmem:s13+$0x20]  }
0x194: {  	s17 =	sadd.s32 $0x3, s17  }
0x195: {  	v3 =	vadd.s32 s17, v0;
	_ =	sdelay $0x2  }
0x196: {  	v2 =	vmul.f32 $5.656854150e+00, v2;
	_ =	sdelay $0x1  }
0x197: {  	[tilespmem:v3+s10+$0x0] =	vst.idx.msk $0xffff, v2  }
0x198: {  	v3 =	vld [tilespmem:s13+$0x30]  }
.Ltmp2:
0x199: {  	(pc) =	sbr.rel @p0 .LBB2_7-.Ltmp2, $2  }
0x19a: {  	v2 =	vadd.s32 s17, v1;
	_ =	sdelay $0x2  }
0x19b: {  	v3 =	vmul.f32 $5.656854150e+00, v3  }
0x19c: {  	_ =	sdelay $0x1  }
0x19d: {  	s13 =	sand.u32 $0x7, s11;
	s26 =	sand.u32 $0x3FFFFFF8, s11  }
0x19e: {  	s11 =	sor.u32 s13, s26  }
0x19f: {  	[tilespmem:v2+s10+$0x0] =	vst.idx.msk $0xffff, v3;
	s15 =	sadd.s32 $0xB200, s11  }
0x1a0: {  	v2 =	vld [tilespmem:s15+$0x0];
	_ =	sdelay $0x3  }
0x1a1: {  	s11 =	simm.s32 $0xA240  }
0x1a2: {  	[tilespmem:s11+$0xFFFFFFC0] =	vst v2  }
0x1a3: {  	v2 =	vld [tilespmem:s15+$0x10];
	_ =	sdelay $0x4  }
0x1a4: {  	[tilespmem:s11+$0xFFFFFFD0] =	vst v2  }
0x1a5: {  	v2 =	vld [tilespmem:s15+$0x20];
	_ =	sdelay $0x4  }
0x1a6: {  	[tilespmem:s11+$0xFFFFFFE0] =	vst v2  }
0x1a7: {  	v2 =	vld [tilespmem:s15+$0x30];
	_ =	sdelay $0x4  }
0x1a8: {  	[tilespmem:s11+$0xFFFFFFF0] =	vst v2  }
0x1a9: {  	v2 =	vld [tilespmem:s15+$0x40];
	_ =	sdelay $0x4  }
0x1aa: {  	[tilespmem:s11+$0x0] =	vst v2  }
0x1ab: {  	v2 =	vld [tilespmem:s15+$0x50];
	_ =	sdelay $0x4  }
0x1ac: {  	[tilespmem:s11+$0x10] =	vst v2  }
0x1ad: {  	v2 =	vld [tilespmem:s15+$0x60];
	_ =	sdelay $0x4  }
0x1ae: {  	[tilespmem:s11+$0x20] =	vst v2  }
0x1af: {  	v2 =	vld [tilespmem:s15+$0x70];
	_ =	sdelay $0x1  }
0x1b0: {  	s13 =	simm.s32 $0x1  }
0x1b1: {  	s17 =	sand.u32 $0x7, s13;
	s20 =	sand.u32 $0x3FFFFFF8, s13;
	s15 =	simm.s32 $0x2  }
.LBB2_9:
0x1b2: {  	p0 =	sne.s32 s15, $0x1F;
	s17 =	sor.u32 s17, s20;
	s10 =	sadd.s32 $0x100, s10  }
0x1b3: {  	s17 =	sadd.s32 s17, s10;
	[tilespmem:s11+$0x30] =	vst v2  }
0x1b4: {  	v2 =	vld [tilespmem:s17+$0x0];
	_ =	sdelay $0x3  }
0x1b5: {  	s11 =	sadd.s32 $0x80, s11  }
0x1b6: {  	[tilespmem:s11+$0xFFFFFFC0] =	vst v2  }
0x1b7: {  	v2 =	vld [tilespmem:s17+$0x10];
	_ =	sdelay $0x4  }
0x1b8: {  	[tilespmem:s11+$0xFFFFFFD0] =	vst v2  }
0x1b9: {  	v2 =	vld [tilespmem:s17+$0x20];
	_ =	sdelay $0x4  }
0x1ba: {  	[tilespmem:s11+$0xFFFFFFE0] =	vst v2  }
0x1bb: {  	v2 =	vld [tilespmem:s17+$0x30];
	_ =	sdelay $0x4  }
0x1bc: {  	[tilespmem:s11+$0xFFFFFFF0] =	vst v2  }
0x1bd: {  	v2 =	vld [tilespmem:s17+$0x40];
	_ =	sdelay $0x4  }
0x1be: {  	[tilespmem:s11+$0x0] =	vst v2  }
0x1bf: {  	v2 =	vld [tilespmem:s17+$0x50];
	_ =	sdelay $0x4  }
0x1c0: {  	[tilespmem:s11+$0x10] =	vst v2  }
0x1c1: {  	v2 =	vld [tilespmem:s17+$0x60];
	_ =	sdelay $0x4  }
.Ltmp3:
0x1c2: {  	[tilespmem:s11+$0x20] =	vst v2;
	(pc) =	sbr.rel @p0 .LBB2_9-.Ltmp3, $3  }
0x1c3: {  	v2 =	vld [tilespmem:s17+$0x70];
	_ =	sdelay $0x1  }
0x1c4: {  	s13 =	sadd.s32 $0x1, s13  }
0x1c5: {  	s20 =	sand.u32 $0x3FFFFFF8, s15;
	s15 =	sadd.s32 $0x1, s15;
	s17 =	sand.u32 $0x7, s13  }
0x1c6: {  	s13 =	sor.u32 s17, s20;
	s10 =	sadd.s32 $0x100, s10  }
0x1c7: {  	s10 =	sadd.s32 s13, s10;
	[tilespmem:s11+$0x30] =	vst v2  }
0x1c8: {  	v2 =	vld [tilespmem:s10+$0x0];
	_ =	sdelay $0x3  }
0x1c9: {  	s17 =	sadd.s32 $0x80, s11  }
0x1ca: {  	[tilespmem:s17+$0xFFFFFFC0] =	vst v2  }
0x1cb: {  	v2 =	vld [tilespmem:s10+$0x10];
	_ =	sdelay $0x4  }
0x1cc: {  	[tilespmem:s17+$0xFFFFFFD0] =	vst v2  }
0x1cd: {  	v2 =	vld [tilespmem:s10+$0x20];
	_ =	sdelay $0x4  }
0x1ce: {  	[tilespmem:s17+$0xFFFFFFE0] =	vst v2  }
0x1cf: {  	v2 =	vld [tilespmem:s10+$0x30];
	_ =	sdelay $0x4  }
0x1d0: {  	[tilespmem:s17+$0xFFFFFFF0] =	vst v2  }
0x1d1: {  	v2 =	vld [tilespmem:s10+$0x40];
	_ =	sdelay $0x4  }
0x1d2: {  	[tilespmem:s17+$0x0] =	vst v2  }
0x1d3: {  	v2 =	vld [tilespmem:s10+$0x50];
	_ =	sdelay $0x4  }
0x1d4: {  	[tilespmem:s17+$0x10] =	vst v2  }
0x1d5: {  	v2 =	vld [tilespmem:s10+$0x60];
	_ =	sdelay $0x4  }
0x1d6: {  	[tilespmem:s17+$0x20] =	vst v2  }
0x1d7: {  	v2 =	vld [tilespmem:s10+$0x70];
	_ =	sdelay $0x4  }
0x1d8: {  	s20 =	simm.s32 $0x7180;
	s10 =	sadd.s32 s6, s2;
	[tilespmem:s17+$0x30] =	vst v2  }
0x1d9: {  	[tilespmem:s18], [sflag:$0x2] =	stream.indirect.gather [hbm4b:s4+s14], $0x20, s20, s14, $0xb8;
	[tilespmem:$0xD200] =	vst v63  }
0x1da: {  	s15 =	sor.u32 $0x4080, s6;
	s11 =	simm.s32 $0x0;
	s26 =	sadd.s32 $0x80, s10  }
0x1db: {  	[hbm4b:s26+s11] =	stream.linear.scatter [tilespmem:s28], [sflag:$0x4], $0x400, $0x38;
	[tilespmem:$0xD200] =	vst v63  }
0x1dc: {  	s13 =	sadd.s32 s2, s15;
	s17 =	sor.u32 $0x8080, s6  }
0x1dd: {  	[hbm4b:s13+s11] =	stream.linear.scatter [tilespmem:s29], [sflag:$0x4], $0x400, $0x38;
	[tilespmem:$0xD200] =	vst v63  }
0x1de: {  	s20 =	sor.u32 $0xC080, s6;
	s13 =	sadd.s32 s2, s17  }
0x1df: {  	[hbm4b:s13+s11] =	stream.linear.scatter [tilespmem:s30], [sflag:$0x4], $0x400, $0x38;
	[tilespmem:$0xD200] =	vst v63  }
0x1e0: {  	s13 =	sadd.s32 s2, s20  }
0x1e1: {  	[hbm4b:s13+s11] =	stream.linear.scatter [tilespmem:s31], [sflag:$0x4], $0x400, $0x38;
	[tilespmem:$0xD200] =	vst v63  }
0x1e2: {  	_ =	swait.ge [sflag:s19], $0x1000  }
0x1e3: {  	[sflag:s19] =	ssyncset.done $0x0  }
0x1e4: {  	[sflag:s19] =	ssyncadd.s32 $0xFFFFF000  }
0x1e5: {  	_ =	swait.ge [sflag:s0], $0x400  }
0x1e6: {  	[sflag:s0] =	ssyncset.done $0x0  }
0x1e7: {  	[sflag:s0] =	ssyncadd.s32 $0xFFFFFC00  }
0x1e8: {  	_ =	swait.ge [sflag:s0], $0x400  }
0x1e9: {  	[sflag:s0] =	ssyncset.done $0x0  }
0x1ea: {  	[sflag:s0] =	ssyncadd.s32 $0xFFFFFC00  }
0x1eb: {  	_ =	swait.ge [sflag:s0], $0x400  }
0x1ec: {  	[sflag:s0] =	ssyncset.done $0x0  }
0x1ed: {  	[sflag:s0] =	ssyncadd.s32 $0xFFFFFC00  }
0x1ee: {  	_ =	swait.ge [sflag:s0], $0x400  }
0x1ef: {  	[sflag:s0] =	ssyncset.done $0x0  }
0x1f0: {  	s15 =	simm.s32 $0x7240;
	[sflag:s0] =	ssyncadd.s32 $0xFFFFFC00  }
0x1f1: {  	v2 =	vld [tilespmem:s15+$0xFFFFFFC0];
	_ =	sdelay $0x1  }
0x1f2: {  	v3 =	vadd.s32 s11, v0;
	_ =	sdelay $0x2  }
0x1f3: {  	v2 =	vmul.f32 $5.656854150e+00, v2  }
0x1f4: {  	s13 =	simm.s32 $0xB200  }
0x1f5: {  	[tilespmem:v3+s13+$0x0] =	vst.idx.msk $0xffff, v2  }
0x1f6: {  	v2 =	vld [tilespmem:s15+$0xFFFFFFD0];
	_ =	sdelay $0x1  }
0x1f7: {  	v3 =	vadd.s32 s11, v1;
	_ =	sdelay $0x2  }
0x1f8: {  	v2 =	vmul.f32 $5.656854150e+00, v2;
	_ =	sdelay $0x1  }
0x1f9: {  	[tilespmem:v3+s13+$0x0] =	vst.idx.msk $0xffff, v2  }
0x1fa: {  	v2 =	vld [tilespmem:s15+$0xFFFFFFE0]  }
0x1fb: {  	s26 =	simm.s32 $0x1  }
0x1fc: {  	v3 =	vadd.s32 s26, v0;
	_ =	sdelay $0x2  }
0x1fd: {  	v2 =	vmul.f32 $5.656854150e+00, v2;
	_ =	sdelay $0x1  }
0x1fe: {  	[tilespmem:v3+s13+$0x0] =	vst.idx.msk $0xffff, v2  }
0x1ff: {  	v2 =	vld [tilespmem:s15+$0xFFFFFFF0];
	_ =	sdelay $0x1  }
0x200: {  	v3 =	vadd.s32 s26, v1;
	_ =	sdelay $0x2  }
0x201: {  	v2 =	vmul.f32 $5.656854150e+00, v2;
	_ =	sdelay $0x1  }
0x202: {  	[tilespmem:v3+s13+$0x0] =	vst.idx.msk $0xffff, v2  }
0x203: {  	v2 =	vld [tilespmem:s15+$0x0]  }
0x204: {  	s20 =	simm.s32 $0x2  }
0x205: {  	v3 =	vadd.s32 s20, v0;
	_ =	sdelay $0x2  }
0x206: {  	v2 =	vmul.f32 $5.656854150e+00, v2;
	_ =	sdelay $0x1  }
0x207: {  	[tilespmem:v3+s13+$0x0] =	vst.idx.msk $0xffff, v2  }
0x208: {  	v2 =	vld [tilespmem:s15+$0x10];
	_ =	sdelay $0x1  }
0x209: {  	v3 =	vadd.s32 s20, v1;
	_ =	sdelay $0x2  }
0x20a: {  	v2 =	vmul.f32 $5.656854150e+00, v2;
	_ =	sdelay $0x1  }
0x20b: {  	[tilespmem:v3+s13+$0x0] =	vst.idx.msk $0xffff, v2  }
0x20c: {  	v2 =	vld [tilespmem:s15+$0x20]  }
0x20d: {  	s26 =	simm.s32 $0x3  }
0x20e: {  	v3 =	vadd.s32 s26, v0;
	_ =	sdelay $0x2  }
0x20f: {  	v2 =	vmul.f32 $5.656854150e+00, v2;
	_ =	sdelay $0x1  }
0x210: {  	[tilespmem:v3+s13+$0x0] =	vst.idx.msk $0xffff, v2  }
0x211: {  	v3 =	vld [tilespmem:s15+$0x30];
	_ =	sdelay $0x1  }
0x212: {  	v2 =	vadd.s32 s26, v1;
	_ =	sdelay $0x2  }
0x213: {  	s17 =	simm.s32 $0x4;
	v3 =	vmul.f32 $5.656854150e+00, v3  }
.LBB2_11:
0x214: {  	p0 =	sne.s32 s17, $0x7C  }
0x215: {  	s15 =	sadd.s32 $0x80, s15;
	s20 =	smov.u32 s17;
	s17 =	sadd.s32 $0x4, s17;
	[tilespmem:v2+s13+$0x0] =	vst.idx.msk $0xffff, v3  }
0x216: {  	v2 =	vld [tilespmem:s15+$0xFFFFFFC0];
	_ =	sdelay $0x1  }
0x217: {  	v3 =	vadd.s32 s20, v0;
	_ =	sdelay $0x2  }
0x218: {  	v2 =	vmul.f32 $5.656854150e+00, v2;
	_ =	sdelay $0x1  }
0x219: {  	[tilespmem:v3+s13+$0x0] =	vst.idx.msk $0xffff, v2  }
0x21a: {  	v2 =	vld [tilespmem:s15+$0xFFFFFFD0];
	_ =	sdelay $0x1  }
0x21b: {  	v3 =	vadd.s32 s20, v1;
	_ =	sdelay $0x2  }
0x21c: {  	v2 =	vmul.f32 $5.656854150e+00, v2;
	_ =	sdelay $0x1  }
0x21d: {  	[tilespmem:v3+s13+$0x0] =	vst.idx.msk $0xffff, v2  }
0x21e: {  	v2 =	vld [tilespmem:s15+$0xFFFFFFE0]  }
0x21f: {  	s26 =	sadd.s32 $0x1, s20  }
0x220: {  	v3 =	vadd.s32 s26, v0;
	_ =	sdelay $0x2  }
0x221: {  	v2 =	vmul.f32 $5.656854150e+00, v2;
	_ =	sdelay $0x1  }
0x222: {  	[tilespmem:v3+s13+$0x0] =	vst.idx.msk $0xffff, v2  }
0x223: {  	v2 =	vld [tilespmem:s15+$0xFFFFFFF0];
	_ =	sdelay $0x1  }
0x224: {  	v3 =	vadd.s32 s26, v1;
	_ =	sdelay $0x2  }
0x225: {  	v2 =	vmul.f32 $5.656854150e+00, v2;
	_ =	sdelay $0x1  }
0x226: {  	[tilespmem:v3+s13+$0x0] =	vst.idx.msk $0xffff, v2  }
0x227: {  	v2 =	vld [tilespmem:s15+$0x0]  }
0x228: {  	s26 =	sadd.s32 $0x2, s20  }
0x229: {  	v3 =	vadd.s32 s26, v0;
	_ =	sdelay $0x2  }
0x22a: {  	v2 =	vmul.f32 $5.656854150e+00, v2;
	_ =	sdelay $0x1  }
0x22b: {  	[tilespmem:v3+s13+$0x0] =	vst.idx.msk $0xffff, v2  }
0x22c: {  	v2 =	vld [tilespmem:s15+$0x10];
	_ =	sdelay $0x1  }
0x22d: {  	v3 =	vadd.s32 s26, v1;
	_ =	sdelay $0x2  }
0x22e: {  	v2 =	vmul.f32 $5.656854150e+00, v2;
	_ =	sdelay $0x1  }
0x22f: {  	[tilespmem:v3+s13+$0x0] =	vst.idx.msk $0xffff, v2  }
0x230: {  	v2 =	vld [tilespmem:s15+$0x20]  }
0x231: {  	s20 =	sadd.s32 $0x3, s20  }
0x232: {  	v3 =	vadd.s32 s20, v0;
	_ =	sdelay $0x2  }
0x233: {  	v2 =	vmul.f32 $5.656854150e+00, v2;
	_ =	sdelay $0x1  }
0x234: {  	[tilespmem:v3+s13+$0x0] =	vst.idx.msk $0xffff, v2  }
0x235: {  	v3 =	vld [tilespmem:s15+$0x30]  }
.Ltmp4:
0x236: {  	(pc) =	sbr.rel @p0 .LBB2_11-.Ltmp4, $2  }
0x237: {  	v2 =	vadd.s32 s20, v1;
	_ =	sdelay $0x2  }
0x238: {  	v3 =	vmul.f32 $5.656854150e+00, v3  }
0x239: {  	_ =	sdelay $0x1  }
0x23a: {  	s15 =	sand.u32 $0x7, s11;
	s26 =	sand.u32 $0x3FFFFFF8, s11  }
0x23b: {  	s11 =	sor.u32 s15, s26  }
0x23c: {  	[tilespmem:v2+s13+$0x0] =	vst.idx.msk $0xffff, v3;
	s17 =	sadd.s32 $0xB200, s11  }
0x23d: {  	v2 =	vld [tilespmem:s17+$0x0];
	_ =	sdelay $0x3  }
0x23e: {  	s11 =	simm.s32 $0x9240  }
0x23f: {  	[tilespmem:s11+$0xFFFFFFC0] =	vst v2  }
0x240: {  	v2 =	vld [tilespmem:s17+$0x10];
	_ =	sdelay $0x4  }
0x241: {  	[tilespmem:s11+$0xFFFFFFD0] =	vst v2  }
0x242: {  	v2 =	vld [tilespmem:s17+$0x20];
	_ =	sdelay $0x4  }
0x243: {  	[tilespmem:s11+$0xFFFFFFE0] =	vst v2  }
0x244: {  	v2 =	vld [tilespmem:s17+$0x30];
	_ =	sdelay $0x4  }
0x245: {  	[tilespmem:s11+$0xFFFFFFF0] =	vst v2  }
0x246: {  	v2 =	vld [tilespmem:s17+$0x40];
	_ =	sdelay $0x4  }
0x247: {  	[tilespmem:s11+$0x0] =	vst v2  }
0x248: {  	v2 =	vld [tilespmem:s17+$0x50];
	_ =	sdelay $0x4  }
0x249: {  	[tilespmem:s11+$0x10] =	vst v2  }
0x24a: {  	v2 =	vld [tilespmem:s17+$0x60];
	_ =	sdelay $0x4  }
0x24b: {  	[tilespmem:s11+$0x20] =	vst v2  }
0x24c: {  	v2 =	vld [tilespmem:s17+$0x70];
	_ =	sdelay $0x1  }
0x24d: {  	s15 =	simm.s32 $0x1  }
0x24e: {  	s20 =	sand.u32 $0x7, s15;
	s26 =	sand.u32 $0x3FFFFFF8, s15;
	s17 =	simm.s32 $0x2  }
.LBB2_13:
0x24f: {  	p0 =	sne.s32 s17, $0x1F;
	s20 =	sor.u32 s20, s26;
	s13 =	sadd.s32 $0x100, s13  }
0x250: {  	s20 =	sadd.s32 s20, s13;
	[tilespmem:s11+$0x30] =	vst v2  }
0x251: {  	v2 =	vld [tilespmem:s20+$0x0];
	_ =	sdelay $0x3  }
0x252: {  	s11 =	sadd.s32 $0x80, s11  }
0x253: {  	[tilespmem:s11+$0xFFFFFFC0] =	vst v2  }
0x254: {  	v2 =	vld [tilespmem:s20+$0x10];
	_ =	sdelay $0x4  }
0x255: {  	[tilespmem:s11+$0xFFFFFFD0] =	vst v2  }
0x256: {  	v2 =	vld [tilespmem:s20+$0x20];
	_ =	sdelay $0x4  }
0x257: {  	[tilespmem:s11+$0xFFFFFFE0] =	vst v2  }
0x258: {  	v2 =	vld [tilespmem:s20+$0x30];
	_ =	sdelay $0x4  }
0x259: {  	[tilespmem:s11+$0xFFFFFFF0] =	vst v2  }
0x25a: {  	v2 =	vld [tilespmem:s20+$0x40];
	_ =	sdelay $0x4  }
0x25b: {  	[tilespmem:s11+$0x0] =	vst v2  }
0x25c: {  	v2 =	vld [tilespmem:s20+$0x50];
	_ =	sdelay $0x4  }
0x25d: {  	[tilespmem:s11+$0x10] =	vst v2  }
0x25e: {  	v2 =	vld [tilespmem:s20+$0x60];
	_ =	sdelay $0x4  }
.Ltmp5:
0x25f: {  	[tilespmem:s11+$0x20] =	vst v2;
	(pc) =	sbr.rel @p0 .LBB2_13-.Ltmp5, $3  }
0x260: {  	v2 =	vld [tilespmem:s20+$0x70];
	_ =	sdelay $0x1  }
0x261: {  	s15 =	sadd.s32 $0x1, s15  }
0x262: {  	s26 =	sand.u32 $0x3FFFFFF8, s17;
	s17 =	sadd.s32 $0x1, s17;
	s20 =	sand.u32 $0x7, s15  }
0x263: {  	s15 =	sor.u32 s20, s26;
	s13 =	sadd.s32 $0x100, s13  }
0x264: {  	s13 =	sadd.s32 s15, s13;
	[tilespmem:s11+$0x30] =	vst v2  }
0x265: {  	v2 =	vld [tilespmem:s13+$0x0];
	_ =	sdelay $0x3  }
0x266: {  	s17 =	sadd.s32 $0x80, s11  }
0x267: {  	[tilespmem:s17+$0xFFFFFFC0] =	vst v2  }
0x268: {  	v2 =	vld [tilespmem:s13+$0x10];
	_ =	sdelay $0x4  }
0x269: {  	[tilespmem:s17+$0xFFFFFFD0] =	vst v2  }
0x26a: {  	v2 =	vld [tilespmem:s13+$0x20];
	_ =	sdelay $0x4  }
0x26b: {  	[tilespmem:s17+$0xFFFFFFE0] =	vst v2  }
0x26c: {  	v2 =	vld [tilespmem:s13+$0x30];
	_ =	sdelay $0x4  }
0x26d: {  	[tilespmem:s17+$0xFFFFFFF0] =	vst v2  }
0x26e: {  	v2 =	vld [tilespmem:s13+$0x40];
	_ =	sdelay $0x4  }
0x26f: {  	[tilespmem:s17+$0x0] =	vst v2  }
0x270: {  	v2 =	vld [tilespmem:s13+$0x50];
	_ =	sdelay $0x4  }
0x271: {  	[tilespmem:s17+$0x10] =	vst v2  }
0x272: {  	v2 =	vld [tilespmem:s13+$0x60];
	_ =	sdelay $0x4  }
0x273: {  	[tilespmem:s17+$0x20] =	vst v2  }
0x274: {  	v2 =	vld [tilespmem:s13+$0x70];
	_ =	sdelay $0x4  }
0x275: {  	s20 =	sadd.s32 $0x100, s10;
	s26 =	sor.u32 $0x4100, s6;
	s11 =	simm.s32 $0x0;
	[tilespmem:s17+$0x30] =	vst v2  }
0x276: {  	[hbm4b:s20+s11] =	stream.linear.scatter [tilespmem:s21], [sflag:$0x3], $0x400, $0x38;
	[tilespmem:$0xD200] =	vst v63  }
0x277: {  	s15 =	sor.u32 $0x8100, s6;
	s13 =	sadd.s32 s2, s26  }
0x278: {  	[hbm4b:s13+s11] =	stream.linear.scatter [tilespmem:s22], [sflag:$0x3], $0x400, $0x38;
	[tilespmem:$0xD200] =	vst v63  }
0x279: {  	s17 =	sor.u32 $0xC100, s6;
	s13 =	sadd.s32 s2, s15  }
0x27a: {  	[hbm4b:s13+s11] =	stream.linear.scatter [tilespmem:s23], [sflag:$0x3], $0x400, $0x38;
	[tilespmem:$0xD200] =	vst v63  }
0x27b: {  	s13 =	sadd.s32 s2, s17  }
0x27c: {  	[hbm4b:s13+s11] =	stream.linear.scatter [tilespmem:s24], [sflag:$0x3], $0x400, $0x38;
	[tilespmem:$0xD200] =	vst v63  }
0x27d: {  	_ =	swait.ge [sflag:s25], $0x1000  }
0x27e: {  	[sflag:s25] =	ssyncset.done $0x0  }
0x27f: {  	[sflag:s25] =	ssyncadd.s32 $0xFFFFF000  }
0x280: {  	_ =	swait.ge [sflag:s1], $0x400  }
0x281: {  	[sflag:s1] =	ssyncset.done $0x0  }
0x282: {  	[sflag:s1] =	ssyncadd.s32 $0xFFFFFC00  }
0x283: {  	_ =	swait.ge [sflag:s1], $0x400  }
0x284: {  	[sflag:s1] =	ssyncset.done $0x0  }
0x285: {  	[sflag:s1] =	ssyncadd.s32 $0xFFFFFC00  }
0x286: {  	_ =	swait.ge [sflag:s1], $0x400  }
0x287: {  	[sflag:s1] =	ssyncset.done $0x0  }
0x288: {  	[sflag:s1] =	ssyncadd.s32 $0xFFFFFC00  }
0x289: {  	_ =	swait.ge [sflag:s1], $0x400  }
0x28a: {  	[sflag:s1] =	ssyncset.done $0x0  }
0x28b: {  	s15 =	simm.s32 $0x8240;
	[sflag:s1] =	ssyncadd.s32 $0xFFFFFC00  }
0x28c: {  	v2 =	vld [tilespmem:s15+$0xFFFFFFC0];
	_ =	sdelay $0x1  }
0x28d: {  	v3 =	vadd.s32 s11, v0;
	_ =	sdelay $0x2  }
0x28e: {  	v2 =	vmul.f32 $5.656854150e+00, v2  }
0x28f: {  	s13 =	simm.s32 $0xB200  }
0x290: {  	[tilespmem:v3+s13+$0x0] =	vst.idx.msk $0xffff, v2  }
0x291: {  	v2 =	vld [tilespmem:s15+$0xFFFFFFD0];
	_ =	sdelay $0x1  }
0x292: {  	v3 =	vadd.s32 s11, v1;
	_ =	sdelay $0x2  }
0x293: {  	v2 =	vmul.f32 $5.656854150e+00, v2;
	_ =	sdelay $0x1  }
0x294: {  	[tilespmem:v3+s13+$0x0] =	vst.idx.msk $0xffff, v2  }
0x295: {  	v2 =	vld [tilespmem:s15+$0xFFFFFFE0]  }
0x296: {  	s17 =	simm.s32 $0x1  }
0x297: {  	v3 =	vadd.s32 s17, v0;
	_ =	sdelay $0x2  }
0x298: {  	v2 =	vmul.f32 $5.656854150e+00, v2;
	_ =	sdelay $0x1  }
0x299: {  	[tilespmem:v3+s13+$0x0] =	vst.idx.msk $0xffff, v2  }
0x29a: {  	v2 =	vld [tilespmem:s15+$0xFFFFFFF0];
	_ =	sdelay $0x1  }
0x29b: {  	v3 =	vadd.s32 s17, v1;
	_ =	sdelay $0x2  }
0x29c: {  	v2 =	vmul.f32 $5.656854150e+00, v2;
	_ =	sdelay $0x1  }
0x29d: {  	[tilespmem:v3+s13+$0x0] =	vst.idx.msk $0xffff, v2  }
0x29e: {  	v2 =	vld [tilespmem:s15+$0x0]  }
0x29f: {  	s20 =	simm.s32 $0x2  }
0x2a0: {  	v3 =	vadd.s32 s20, v0;
	_ =	sdelay $0x2  }
0x2a1: {  	v2 =	vmul.f32 $5.656854150e+00, v2;
	_ =	sdelay $0x1  }
0x2a2: {  	[tilespmem:v3+s13+$0x0] =	vst.idx.msk $0xffff, v2  }
0x2a3: {  	v2 =	vld [tilespmem:s15+$0x10];
	_ =	sdelay $0x1  }
0x2a4: {  	v3 =	vadd.s32 s20, v1;
	_ =	sdelay $0x2  }
0x2a5: {  	v2 =	vmul.f32 $5.656854150e+00, v2;
	_ =	sdelay $0x1  }
0x2a6: {  	[tilespmem:v3+s13+$0x0] =	vst.idx.msk $0xffff, v2  }
0x2a7: {  	v2 =	vld [tilespmem:s15+$0x20]  }
0x2a8: {  	s26 =	simm.s32 $0x3  }
0x2a9: {  	v3 =	vadd.s32 s26, v0;
	_ =	sdelay $0x2  }
0x2aa: {  	v2 =	vmul.f32 $5.656854150e+00, v2;
	_ =	sdelay $0x1  }
0x2ab: {  	[tilespmem:v3+s13+$0x0] =	vst.idx.msk $0xffff, v2  }
0x2ac: {  	v3 =	vld [tilespmem:s15+$0x30];
	_ =	sdelay $0x1  }
0x2ad: {  	v2 =	vadd.s32 s26, v1;
	_ =	sdelay $0x2  }
0x2ae: {  	s17 =	simm.s32 $0x4;
	v3 =	vmul.f32 $5.656854150e+00, v3  }
.LBB2_15:
0x2af: {  	p0 =	sne.s32 s17, $0x7C  }
0x2b0: {  	s15 =	sadd.s32 $0x80, s15;
	s20 =	smov.u32 s17;
	s17 =	sadd.s32 $0x4, s17;
	[tilespmem:v2+s13+$0x0] =	vst.idx.msk $0xffff, v3  }
0x2b1: {  	v2 =	vld [tilespmem:s15+$0xFFFFFFC0];
	_ =	sdelay $0x1  }
0x2b2: {  	v3 =	vadd.s32 s20, v0;
	_ =	sdelay $0x2  }
0x2b3: {  	v2 =	vmul.f32 $5.656854150e+00, v2;
	_ =	sdelay $0x1  }
0x2b4: {  	[tilespmem:v3+s13+$0x0] =	vst.idx.msk $0xffff, v2  }
0x2b5: {  	v2 =	vld [tilespmem:s15+$0xFFFFFFD0];
	_ =	sdelay $0x1  }
0x2b6: {  	v3 =	vadd.s32 s20, v1;
	_ =	sdelay $0x2  }
0x2b7: {  	v2 =	vmul.f32 $5.656854150e+00, v2;
	_ =	sdelay $0x1  }
0x2b8: {  	[tilespmem:v3+s13+$0x0] =	vst.idx.msk $0xffff, v2  }
0x2b9: {  	v2 =	vld [tilespmem:s15+$0xFFFFFFE0]  }
0x2ba: {  	s26 =	sadd.s32 $0x1, s20  }
0x2bb: {  	v3 =	vadd.s32 s26, v0;
	_ =	sdelay $0x2  }
0x2bc: {  	v2 =	vmul.f32 $5.656854150e+00, v2;
	_ =	sdelay $0x1  }
0x2bd: {  	[tilespmem:v3+s13+$0x0] =	vst.idx.msk $0xffff, v2  }
0x2be: {  	v2 =	vld [tilespmem:s15+$0xFFFFFFF0];
	_ =	sdelay $0x1  }
0x2bf: {  	v3 =	vadd.s32 s26, v1;
	_ =	sdelay $0x2  }
0x2c0: {  	v2 =	vmul.f32 $5.656854150e+00, v2;
	_ =	sdelay $0x1  }
0x2c1: {  	[tilespmem:v3+s13+$0x0] =	vst.idx.msk $0xffff, v2  }
0x2c2: {  	v2 =	vld [tilespmem:s15+$0x0]  }
0x2c3: {  	s26 =	sadd.s32 $0x2, s20  }
0x2c4: {  	v3 =	vadd.s32 s26, v0;
	_ =	sdelay $0x2  }
0x2c5: {  	v2 =	vmul.f32 $5.656854150e+00, v2;
	_ =	sdelay $0x1  }
0x2c6: {  	[tilespmem:v3+s13+$0x0] =	vst.idx.msk $0xffff, v2  }
0x2c7: {  	v2 =	vld [tilespmem:s15+$0x10];
	_ =	sdelay $0x1  }
0x2c8: {  	v3 =	vadd.s32 s26, v1;
	_ =	sdelay $0x2  }
0x2c9: {  	v2 =	vmul.f32 $5.656854150e+00, v2;
	_ =	sdelay $0x1  }
0x2ca: {  	[tilespmem:v3+s13+$0x0] =	vst.idx.msk $0xffff, v2  }
0x2cb: {  	v2 =	vld [tilespmem:s15+$0x20]  }
0x2cc: {  	s20 =	sadd.s32 $0x3, s20  }
0x2cd: {  	v3 =	vadd.s32 s20, v0;
	_ =	sdelay $0x2  }
0x2ce: {  	v2 =	vmul.f32 $5.656854150e+00, v2;
	_ =	sdelay $0x1  }
0x2cf: {  	[tilespmem:v3+s13+$0x0] =	vst.idx.msk $0xffff, v2  }
0x2d0: {  	v3 =	vld [tilespmem:s15+$0x30]  }
.Ltmp6:
0x2d1: {  	(pc) =	sbr.rel @p0 .LBB2_15-.Ltmp6, $2  }
0x2d2: {  	v2 =	vadd.s32 s20, v1;
	_ =	sdelay $0x2  }
0x2d3: {  	v3 =	vmul.f32 $5.656854150e+00, v3  }
0x2d4: {  	_ =	sdelay $0x1  }
0x2d5: {  	s15 =	sand.u32 $0x7, s11;
	s26 =	sand.u32 $0x3FFFFFF8, s11  }
0x2d6: {  	s11 =	sor.u32 s15, s26  }
0x2d7: {  	[tilespmem:v2+s13+$0x0] =	vst.idx.msk $0xffff, v3;
	s17 =	sadd.s32 $0xB200, s11  }
0x2d8: {  	v2 =	vld [tilespmem:s17+$0x0];
	_ =	sdelay $0x3  }
0x2d9: {  	s11 =	simm.s32 $0xA240  }
0x2da: {  	[tilespmem:s11+$0xFFFFFFC0] =	vst v2  }
0x2db: {  	v2 =	vld [tilespmem:s17+$0x10];
	_ =	sdelay $0x4  }
0x2dc: {  	[tilespmem:s11+$0xFFFFFFD0] =	vst v2  }
0x2dd: {  	v2 =	vld [tilespmem:s17+$0x20];
	_ =	sdelay $0x4  }
0x2de: {  	[tilespmem:s11+$0xFFFFFFE0] =	vst v2  }
0x2df: {  	v2 =	vld [tilespmem:s17+$0x30];
	_ =	sdelay $0x4  }
0x2e0: {  	[tilespmem:s11+$0xFFFFFFF0] =	vst v2  }
0x2e1: {  	v2 =	vld [tilespmem:s17+$0x40];
	_ =	sdelay $0x4  }
0x2e2: {  	[tilespmem:s11+$0x0] =	vst v2  }
0x2e3: {  	v2 =	vld [tilespmem:s17+$0x50];
	_ =	sdelay $0x4  }
0x2e4: {  	[tilespmem:s11+$0x10] =	vst v2  }
0x2e5: {  	v2 =	vld [tilespmem:s17+$0x60];
	_ =	sdelay $0x4  }
0x2e6: {  	[tilespmem:s11+$0x20] =	vst v2  }
0x2e7: {  	v2 =	vld [tilespmem:s17+$0x70];
	_ =	sdelay $0x1  }
0x2e8: {  	s15 =	simm.s32 $0x1  }
0x2e9: {  	s20 =	sand.u32 $0x7, s15;
	s26 =	sand.u32 $0x3FFFFFF8, s15;
	s17 =	simm.s32 $0x2  }
.LBB2_17:
0x2ea: {  	p0 =	sne.s32 s17, $0x1F;
	s20 =	sor.u32 s20, s26;
	s13 =	sadd.s32 $0x100, s13  }
0x2eb: {  	s20 =	sadd.s32 s20, s13;
	[tilespmem:s11+$0x30] =	vst v2  }
0x2ec: {  	v2 =	vld [tilespmem:s20+$0x0];
	_ =	sdelay $0x3  }
0x2ed: {  	s11 =	sadd.s32 $0x80, s11  }
0x2ee: {  	[tilespmem:s11+$0xFFFFFFC0] =	vst v2  }
0x2ef: {  	v2 =	vld [tilespmem:s20+$0x10];
	_ =	sdelay $0x4  }
0x2f0: {  	[tilespmem:s11+$0xFFFFFFD0] =	vst v2  }
0x2f1: {  	v2 =	vld [tilespmem:s20+$0x20];
	_ =	sdelay $0x4  }
0x2f2: {  	[tilespmem:s11+$0xFFFFFFE0] =	vst v2  }
0x2f3: {  	v2 =	vld [tilespmem:s20+$0x30];
	_ =	sdelay $0x4  }
0x2f4: {  	[tilespmem:s11+$0xFFFFFFF0] =	vst v2  }
0x2f5: {  	v2 =	vld [tilespmem:s20+$0x40];
	_ =	sdelay $0x4  }
0x2f6: {  	[tilespmem:s11+$0x0] =	vst v2  }
0x2f7: {  	v2 =	vld [tilespmem:s20+$0x50];
	_ =	sdelay $0x4  }
0x2f8: {  	[tilespmem:s11+$0x10] =	vst v2  }
0x2f9: {  	v2 =	vld [tilespmem:s20+$0x60];
	_ =	sdelay $0x4  }
.Ltmp7:
0x2fa: {  	[tilespmem:s11+$0x20] =	vst v2;
	(pc) =	sbr.rel @p0 .LBB2_17-.Ltmp7, $3  }
0x2fb: {  	v2 =	vld [tilespmem:s20+$0x70];
	_ =	sdelay $0x1  }
0x2fc: {  	s15 =	sadd.s32 $0x1, s15  }
0x2fd: {  	s26 =	sand.u32 $0x3FFFFFF8, s17;
	s17 =	sadd.s32 $0x1, s17;
	s20 =	sand.u32 $0x7, s15  }
0x2fe: {  	s15 =	sor.u32 s20, s26;
	s13 =	sadd.s32 $0x100, s13  }
0x2ff: {  	s13 =	sadd.s32 s15, s13;
	[tilespmem:s11+$0x30] =	vst v2  }
0x300: {  	v2 =	vld [tilespmem:s13+$0x0];
	_ =	sdelay $0x3  }
0x301: {  	s15 =	sadd.s32 $0x80, s11  }
0x302: {  	[tilespmem:s15+$0xFFFFFFC0] =	vst v2  }
0x303: {  	v2 =	vld [tilespmem:s13+$0x10];
	_ =	sdelay $0x4  }
0x304: {  	[tilespmem:s15+$0xFFFFFFD0] =	vst v2  }
0x305: {  	v2 =	vld [tilespmem:s13+$0x20];
	_ =	sdelay $0x4  }
0x306: {  	[tilespmem:s15+$0xFFFFFFE0] =	vst v2  }
0x307: {  	v2 =	vld [tilespmem:s13+$0x30];
	_ =	sdelay $0x4  }
0x308: {  	[tilespmem:s15+$0xFFFFFFF0] =	vst v2  }
0x309: {  	v2 =	vld [tilespmem:s13+$0x40];
	_ =	sdelay $0x4  }
0x30a: {  	[tilespmem:s15+$0x0] =	vst v2  }
0x30b: {  	v2 =	vld [tilespmem:s13+$0x50];
	_ =	sdelay $0x4  }
0x30c: {  	[tilespmem:s15+$0x10] =	vst v2  }
0x30d: {  	v2 =	vld [tilespmem:s13+$0x60];
	_ =	sdelay $0x4  }
0x30e: {  	[tilespmem:s15+$0x20] =	vst v2  }
0x30f: {  	v2 =	vld [tilespmem:s13+$0x70];
	_ =	sdelay $0x4  }
0x310: {  	s10 =	sadd.s32 $0x180, s10;
	s17 =	sor.u32 $0x4180, s6;
	[tilespmem:s15+$0x30] =	vst v2  }
0x311: {  	[hbm4b:s10+s3] =	stream.linear.scatter [tilespmem:s28], [sflag:$0x4], $0x400, $0x38;
	[tilespmem:$0xD200] =	vst v63  }
0x312: {  	s20 =	sor.u32 $0x8180, s6;
	s10 =	sadd.s32 s2, s17  }
0x313: {  	[hbm4b:s10+s3] =	stream.linear.scatter [tilespmem:s29], [sflag:$0x4], $0x400, $0x38;
	[tilespmem:$0xD200] =	vst v63  }
0x314: {  	s26 =	sor.u32 $0xC180, s6;
	s10 =	sadd.s32 s2, s20  }
0x315: {  	[hbm4b:s10+s3] =	stream.linear.scatter [tilespmem:s30], [sflag:$0x4], $0x400, $0x38;
	[tilespmem:$0xD200] =	vst v63  }
0x316: {  	s6 =	sadd.s32 s2, s26  }
0x317: {  	[hbm4b:s6+s3] =	stream.linear.scatter [tilespmem:s31], [sflag:$0x4], $0x400, $0x38;
	[tilespmem:$0xD200] =	vst v63  }
0x318: {  	_ =	swait.ge [sflag:s0], $0x400  }
0x319: {  	[sflag:s0] =	ssyncset.done $0x0  }
0x31a: {  	[sflag:s0] =	ssyncadd.s32 $0xFFFFFC00  }
0x31b: {  	_ =	swait.ge [sflag:s0], $0x400  }
0x31c: {  	[sflag:s0] =	ssyncset.done $0x0  }
0x31d: {  	[sflag:s0] =	ssyncadd.s32 $0xFFFFFC00  }
0x31e: {  	_ =	swait.ge [sflag:s0], $0x400  }
0x31f: {  	[sflag:s0] =	ssyncset.done $0x0  }
0x320: {  	[sflag:s0] =	ssyncadd.s32 $0xFFFFFC00  }
0x321: {  	_ =	swait.ge [sflag:s0], $0x400  }
0x322: {  	[sflag:s0] =	ssyncset.done $0x0  }
0x323: {  	[sflag:s0] =	ssyncadd.s32 $0xFFFFFC00  }
0x324: {  	_ =	swait.ge [sflag:s1], $0x400  }
0x325: {  	[sflag:s1] =	ssyncset.done $0x0  }
0x326: {  	[sflag:s1] =	ssyncadd.s32 $0xFFFFFC00  }
0x327: {  	_ =	swait.ge [sflag:s1], $0x400  }
0x328: {  	[sflag:s1] =	ssyncset.done $0x0  }
0x329: {  	s12 =	sadd.s32 $0x1, s12;
	[sflag:s1] =	ssyncadd.s32 $0xFFFFFC00  }
0x32a: {  	p0 =	sne.s32 s12, $0x32;
	_ =	swait.ge [sflag:s1], $0x400  }
.Ltmp8:
0x32b: {  	[sflag:s1] =	ssyncset.done $0x0;
	(pc) =	sbr.rel @p0 .LBB2_2-.Ltmp8, $4  }
0x32c: {  	[sflag:s1] =	ssyncadd.s32 $0xFFFFFC00  }
0x32d: {  	_ =	swait.ge [sflag:s1], $0x400  }
0x32e: {  	[sflag:s1] =	ssyncset.done $0x0  }
0x32f: {  	[sflag:s1] =	ssyncadd.s32 $0xFFFFFC00  }
0x330: {  	s10 =	rddreg [dreg:$0x5]  }
0x331: {  	s6 =	rddreg [dreg:$0x4];
	s10 =	sadd.s32 $0x1, s10  }
0x332: {  	p0 =	sne.s32 s10, s6  }
.Ltmp9:
0x333: {  	_ = 	snop;
	(pc) =	sbr.rel @p0 .LBB2_1-.Ltmp9, $1  }
0x334: {  	_ =	sdelay $0x3  }
0x335: {  	_ =	sfence.sel $0x180000  }
0x336: {  	[bflag:$0x0] =	sbarrier.arrive $0xFFFF  }
0x337: {  	_ =	strace $0x90000047  }
0x338: {  	s0 =	stileid.u32;
	[bflag:$0x2] =	sbarrier.arrive $0xFFFF  }
0x339: {  	p0 =	sne.s32 s0, $0x0;
	s0 =	rddreg [dreg:$0x2]  }
0x33a: {  	s0 =	sadd.s32 @!p0 $0x100000, s0  }
0x33b: {  	[sflag:s0] =	ssyncadd.tile.s32 @!p0 $0x1;
	_ =	shalt  }
.Lfunc_end2:
_tile_overlayer_lowered:
.L_overlay_start_2:
0x33c: {  	(tag) =	ssettag $0x2  }
0x33d: {  	s0 =	rddreg [dreg:$0x0];
	s2 =	stileid.u32  }
0x33e: {  	s1 =	rddreg [dreg:$0x1];
	p0 =	sne.s32 s2, $0x0  }
0x33f: {  	s3 =	rddreg [dreg:$0x2];
	[bflag:$0x3] =	sbarrier.arrive $0xFFFF;
	s2 =	simm.s32 @!p0 $0x1C05  }
0x340: {  	[timem:s3], [sflag:s2] =	dma.local @!p0 [hbm:s0], s1  }
0x341: {  	s0 =	simm.s32 @!p0 $0x5  }
0x342: {  	_ =	swait.ge @!p0 [sflag:s0], s1  }
0x343: {  	s1 =	ssub.s32 @!p0 $0x0, s1;
	[sflag:s0] =	ssyncset.done @!p0 $0x0  }
0x344: {  	[sflag:s0] =	ssyncadd.s32 @!p0 s1  }
0x345: {  	[bflag:$0x3] =	sbarrier.arrive $0xFFFF  }
0x346: {  	_ =	shalt  }

</sc_bundles>
